<compile_context>
chip_gen: v7x
topology: tpu7x:2x2x1
jax: 0.10.2.dev20260603
libtpu: 0.0.44.dev20260713+nightly
codegen_flags: <defaults>
</compile_context>

<pallas_src>
import jax
import jax.numpy as jnp
from jax import lax
from jax.experimental import pallas as pl
from jax.experimental.pallas import tpu as pltpu
from jax.experimental.pallas import tpu_sc as plsc

_SDF_MIN = -7.0
_SDF_MAX = 7.0
_N_BINS = 256

_NC = 2
_NS = 16
_NW = _NC * _NS
_L = 16

_N = 8 * 128 * 128 * 128
_PER_W = _N // _NW
_CHUNK = 16384
_NCHUNKS = _PER_W // _CHUNK
_UNROLL = 8

_A = (_N_BINS - 1) / (_SDF_MAX - _SDF_MIN)
_B = -_SDF_MIN * _A + 0.5


def _compute_chunk(yp_v, yt_v, lut_v, accs):
    def body(i, acc_in):
        off = i * (_UNROLL * _L)
        acc = list(acc_in)
        for j in range(_UNROLL):
            t = yt_v[pl.ds(off + j * _L, _L)]
            p = yp_v[pl.ds(off + j * _L, _L)]
            tc = jnp.minimum(jnp.maximum(t, _SDF_MIN), _SDF_MAX)
            x = tc * _A + _B
            idx = x.astype(jnp.int32)
            w = plsc.load_gather(lut_v, [idx])
            d = p - t
            acc[j] = acc[j] + w * (d * d)
        return tuple(acc)

    return lax.fori_loop(0, _CHUNK // (_UNROLL * _L), body, accs)


def _sc_body(yp_hbm, yt_hbm, lut_hbm, out_hbm,
             lut_v, yp0, yp1, yt0, yt1, acc_v,
             sp0, sp1, st0, st1):
    c = lax.axis_index("c")
    s = lax.axis_index("s")
    wid = s * _NC + c
    base = wid * _PER_W
    pltpu.sync_copy(lut_hbm, lut_v)

    bufs = ((yp0, yt0, sp0, st0), (yp1, yt1, sp1, st1))

    def start(k, parity):
        ypb, ytb, sp, st = bufs[parity]
        off = base + k * _CHUNK
        pltpu.async_copy(yp_hbm.at[pl.ds(off, _CHUNK)], ypb, sp)
        pltpu.async_copy(yt_hbm.at[pl.ds(off, _CHUNK)], ytb, st)

    def wait(parity):
        ypb, ytb, sp, st = bufs[parity]
        pltpu.make_async_copy(yp_hbm.at[pl.ds(base, _CHUNK)], ypb, sp).wait()
        pltpu.make_async_copy(yt_hbm.at[pl.ds(base, _CHUNK)], ytb, st).wait()

    start(0, 0)
    start(1, 1)

    zeros = jnp.zeros((_L,), jnp.float32)
    accs0 = (zeros,) * _UNROLL

    def pair_body(g, accs):
        k0 = 2 * g
        wait(0)
        accs = _compute_chunk(bufs[0][0], bufs[0][1], lut_v, accs)
        start(k0 + 2, 0)
        wait(1)
        accs = _compute_chunk(bufs[1][0], bufs[1][1], lut_v, accs)
        start(k0 + 3, 1)
        return accs

    accs = lax.fori_loop(0, _NCHUNKS // 2 - 1, pair_body, accs0)

    wait(0)
    accs = _compute_chunk(bufs[0][0], bufs[0][1], lut_v, accs)
    wait(1)
    accs = _compute_chunk(bufs[1][0], bufs[1][1], lut_v, accs)

    half = len(accs) // 2
    acc = sum(accs[1:half], accs[0]) + sum(accs[half + 1:], accs[half])
    acc_v[...] = acc
    pltpu.sync_copy(acc_v, out_hbm.at[wid])


@jax.jit
def _sc_partials(yp, yt, lut):
    mesh = plsc.VectorSubcoreMesh(core_axis_name="c", subcore_axis_name="s")
    return pl.kernel(
        _sc_body,
        out_type=jax.ShapeDtypeStruct((_NW, _L), jnp.float32),
        mesh=mesh,
        scratch_types=[
            pltpu.VMEM((_N_BINS,), jnp.float32),
            pltpu.VMEM((_CHUNK,), jnp.float32),
            pltpu.VMEM((_CHUNK,), jnp.float32),
            pltpu.VMEM((_CHUNK,), jnp.float32),
            pltpu.VMEM((_CHUNK,), jnp.float32),
            pltpu.VMEM((_L,), jnp.float32),
            pltpu.SemaphoreType.DMA,
            pltpu.SemaphoreType.DMA,
            pltpu.SemaphoreType.DMA,
            pltpu.SemaphoreType.DMA,
        ],
        compiler_params=pltpu.CompilerParams(needs_layout_passes=False),
    )(yp, yt, lut)


def kernel(y_pred, y_true, lut):
    n = y_pred.size
    partials = _sc_partials(y_pred.reshape(-1), y_true.reshape(-1), lut)
    return (partials.sum() / n).astype(jnp.float32)

# --- scband reference (transcript-rebuilt; emitter-appended) ---
"""Pipeline reference for scband-fixed-lutweighted-mseloss-70660801954397 (READ-ONLY COPY).

The authoritative reference and input builder live on the scoring server;
editing this copy changes nothing except your own understanding.
"""

import jax, jax.numpy as jnp
import numpy as np

SDF_MIN = -7.0
SDF_MAX = 7.0
N_BINS = 256


def make_lut():
    # matches init_kwargs: lut[i] = 1.0 + (i % 8) * 0.25
    return (1.0 + (jnp.arange(N_BINS) % 8).astype(jnp.float32) * 0.25).astype(jnp.float32)


def setup_inputs(seed: int = 0) -> dict:
    key = jax.random.key(seed)
    k1, k2 = jax.random.split(key)
    y_pred = jax.random.normal(k1, (8, 128, 128, 128), dtype=jnp.float32)
    y_true = jax.random.normal(k2, (8, 128, 128, 128), dtype=jnp.float32)
    lut = make_lut()
    return {"y_pred": y_pred, "y_true": y_true, "lut": lut}


def reference(y_pred, y_true, lut):
    scale = 1.0 / (SDF_MAX - SDF_MIN)
    # _bin_indices (computed under no_grad in torch; int indices carry no grad anyway)
    clamped = jnp.clip(y_true, SDF_MIN, SDF_MAX)
    unit = (clamped - SDF_MIN) * scale
    idx = jnp.round(unit * (N_BINS - 1)).astype(jnp.int32)
    # LUT gather
    w = jnp.take(lut, idx, axis=0).astype(y_pred.dtype)
    wse = w * jnp.square(y_pred - y_true)
    # reduction == 'mean'
    return wse.sum() / y_pred.size

if __name__ == "__main__":
    import jax
    _d = setup_inputs()
    print(jax.jit(kernel)(*tuple(_d.values())))

</pallas_src>

<mosaic_0001>
#map = affine_map<(d0, d1) -> (0)>
#map1 = affine_map<(d0, d1) -> (0, 0)>
module attributes {stable_mosaic.version = 14 : i64} {
  func.func @_sc_body(%arg0: i32, %arg1: i32, %arg2: memref<16777216xf32, #tpu.memory_space<hbm>>, %arg3: memref<16777216xf32, #tpu.memory_space<hbm>>, %arg4: memref<256xf32, #tpu.memory_space<hbm>>, %arg5: memref<32x16xf32, #tpu.memory_space<hbm>>, %arg6: memref<256xf32, #tpu.memory_space<vmem>>, %arg7: memref<16384xf32, #tpu.memory_space<vmem>>, %arg8: memref<16384xf32, #tpu.memory_space<vmem>>, %arg9: memref<16384xf32, #tpu.memory_space<vmem>>, %arg10: memref<16384xf32, #tpu.memory_space<vmem>>, %arg11: memref<16xf32, #tpu.memory_space<vmem>>, %arg12: memref<!tpu.dma_semaphore, #tpu.memory_space<semaphore_mem>>, %arg13: memref<!tpu.dma_semaphore, #tpu.memory_space<semaphore_mem>>, %arg14: memref<!tpu.dma_semaphore, #tpu.memory_space<semaphore_mem>>, %arg15: memref<!tpu.dma_semaphore, #tpu.memory_space<semaphore_mem>>) attributes {dimension_semantics = [#tpu.dimension_semantics<core_parallel>, #tpu.dimension_semantics<subcore_parallel>], iteration_bounds = array<i64: 2, 16>, scalar_prefetch = 0 : i64, scratch_operands = 10 : i64, tpu.core_type = #tpu.core_type<sc_vector_subcore>, window_params = [{transform_indices = #map}, {transform_indices = #map}, {transform_indices = #map}, {transform_indices = #map1}]} {
    %mul3A = arith.constant 2 : i32
    %mul3A_0 = arith.muli %arg1, %mul3A : i32
    %add3A = arith.addi %mul3A_0, %arg0 : i32
    %mul3A_1 = arith.constant 524288 : i32
    %mul3A_2 = arith.muli %add3A, %mul3A_1 : i32
    "tpu.region"() ({
      %run_scoped3A = tpu.sem_alloc : memref<!tpu.dma_semaphore, #tpu.memory_space<semaphore_mem>>
      tpu.enqueue_dma source(%arg4 : memref<256xf32, #tpu.memory_space<hbm>>) target(%arg6 : memref<256xf32, #tpu.memory_space<vmem>>) target_semaphore(%run_scoped3A : memref<!tpu.dma_semaphore, #tpu.memory_space<semaphore_mem>>)
      tpu.wait_dma2 semaphore(%run_scoped3A : memref<!tpu.dma_semaphore, #tpu.memory_space<semaphore_mem>>) src(%arg4 : memref<256xf32, #tpu.memory_space<hbm>>) dst(%arg6 : memref<256xf32, #tpu.memory_space<vmem>>)
      tpu.yield
    }) : () -> ()
    %add3A_3 = arith.constant 0 : i32
    %add3A_4 = arith.addi %mul3A_2, %add3A_3 : i32
    %dma_start3A = tpu.memref_slice %arg2[%add3A_4] : memref<16777216xf32, #tpu.memory_space<hbm>> -> memref<16384xf32, #tpu.memory_space<hbm>>
    %dma_start3A_5 = tpu.memref_slice %arg2[%add3A_4] : memref<16777216xf32, #tpu.memory_space<hbm>> -> memref<16384xf32, #tpu.memory_space<hbm>>
    tpu.enqueue_dma source(%dma_start3A_5 : memref<16384xf32, #tpu.memory_space<hbm>>) target(%arg7 : memref<16384xf32, #tpu.memory_space<vmem>>) target_semaphore(%arg12 : memref<!tpu.dma_semaphore, #tpu.memory_space<semaphore_mem>>)
    %dma_start3A_6 = tpu.memref_slice %arg3[%add3A_4] : memref<16777216xf32, #tpu.memory_space<hbm>> -> memref<16384xf32, #tpu.memory_space<hbm>>
    %dma_start3A_7 = tpu.memref_slice %arg3[%add3A_4] : memref<16777216xf32, #tpu.memory_space<hbm>> -> memref<16384xf32, #tpu.memory_space<hbm>>
    tpu.enqueue_dma source(%dma_start3A_7 : memref<16384xf32, #tpu.memory_space<hbm>>) target(%arg9 : memref<16384xf32, #tpu.memory_space<vmem>>) target_semaphore(%arg14 : memref<!tpu.dma_semaphore, #tpu.memory_space<semaphore_mem>>)
    %add3A_8 = arith.constant 16384 : i32
    %add3A_9 = arith.addi %mul3A_2, %add3A_8 : i32
    %dma_start3A_10 = tpu.memref_slice %arg2[%add3A_9] : memref<16777216xf32, #tpu.memory_space<hbm>> -> memref<16384xf32, #tpu.memory_space<hbm>>
    %dma_start3A_11 = tpu.memref_slice %arg2[%add3A_9] : memref<16777216xf32, #tpu.memory_space<hbm>> -> memref<16384xf32, #tpu.memory_space<hbm>>
    tpu.enqueue_dma source(%dma_start3A_11 : memref<16384xf32, #tpu.memory_space<hbm>>) target(%arg8 : memref<16384xf32, #tpu.memory_space<vmem>>) target_semaphore(%arg13 : memref<!tpu.dma_semaphore, #tpu.memory_space<semaphore_mem>>)
    %dma_start3A_12 = tpu.memref_slice %arg3[%add3A_9] : memref<16777216xf32, #tpu.memory_space<hbm>> -> memref<16384xf32, #tpu.memory_space<hbm>>
    %dma_start3A_13 = tpu.memref_slice %arg3[%add3A_9] : memref<16777216xf32, #tpu.memory_space<hbm>> -> memref<16384xf32, #tpu.memory_space<hbm>>
    tpu.enqueue_dma source(%dma_start3A_13 : memref<16384xf32, #tpu.memory_space<hbm>>) target(%arg10 : memref<16384xf32, #tpu.memory_space<vmem>>) target_semaphore(%arg15 : memref<!tpu.dma_semaphore, #tpu.memory_space<semaphore_mem>>)
    %broadcast_in_dim3A = arith.constant 0.000000e+00 : f32
    %broadcast_in_dim3A_14 = vector.broadcast %broadcast_in_dim3A : f32 to vector<16xf32>
    %scan3A = arith.constant 0 : i32
    %scan3A_15 = arith.constant 15 : i32
    %scan3A_16 = arith.addi %scan3A, %scan3A_15 : i32
    %scan3A_17 = arith.constant 1 : i32
    %scan3A_18:8 = scf.for %scan3A_47 = %scan3A to %scan3A_16 step %scan3A_17 iter_args(%scan3A_48 = %broadcast_in_dim3A_14, %scan3A_49 = %broadcast_in_dim3A_14, %scan3A_50 = %broadcast_in_dim3A_14, %scan3A_51 = %broadcast_in_dim3A_14, %scan3A_52 = %broadcast_in_dim3A_14, %scan3A_53 = %broadcast_in_dim3A_14, %scan3A_54 = %broadcast_in_dim3A_14, %scan3A_55 = %broadcast_in_dim3A_14) -> (vector<16xf32>, vector<16xf32>, vector<16xf32>, vector<16xf32>, vector<16xf32>, vector<16xf32>, vector<16xf32>, vector<16xf32>)  : i32 {
      %mul3A_56 = arith.constant 2 : i32
      %mul3A_57 = arith.muli %mul3A_56, %scan3A_47 : i32
      %dma_wait3A_58 = tpu.memref_slice %arg2[%mul3A_2] : memref<16777216xf32, #tpu.memory_space<hbm>> -> memref<16384xf32, #tpu.memory_space<hbm>>
      %dma_wait3A_59 = tpu.memref_slice %arg2[%mul3A_2] : memref<16777216xf32, #tpu.memory_space<hbm>> -> memref<16384xf32, #tpu.memory_space<hbm>>
      tpu.wait_dma2 semaphore(%arg12 : memref<!tpu.dma_semaphore, #tpu.memory_space<semaphore_mem>>) src(%dma_wait3A_59 : memref<16384xf32, #tpu.memory_space<hbm>>) dst(%arg7 : memref<16384xf32, #tpu.memory_space<vmem>>)
      %dma_wait3A_60 = tpu.memref_slice %arg3[%mul3A_2] : memref<16777216xf32, #tpu.memory_space<hbm>> -> memref<16384xf32, #tpu.memory_space<hbm>>
      %dma_wait3A_61 = tpu.memref_slice %arg3[%mul3A_2] : memref<16777216xf32, #tpu.memory_space<hbm>> -> memref<16384xf32, #tpu.memory_space<hbm>>
      tpu.wait_dma2 semaphore(%arg14 : memref<!tpu.dma_semaphore, #tpu.memory_space<semaphore_mem>>) src(%dma_wait3A_61 : memref<16384xf32, #tpu.memory_space<hbm>>) dst(%arg9 : memref<16384xf32, #tpu.memory_space<vmem>>)
      %scan3A_62 = arith.constant 0 : i32
      %scan3A_63 = arith.constant 128 : i32
      %scan3A_64 = arith.addi %scan3A_62, %scan3A_63 : i32
      %scan3A_65 = arith.constant 1 : i32
      %scan3A_66:8 = scf.for %scan3A_96 = %scan3A_62 to %scan3A_64 step %scan3A_65 iter_args(%scan3A_97 = %scan3A_48, %scan3A_98 = %scan3A_49, %scan3A_99 = %scan3A_50, %scan3A_100 = %scan3A_51, %scan3A_101 = %scan3A_52, %scan3A_102 = %scan3A_53, %scan3A_103 = %scan3A_54, %scan3A_104 = %scan3A_55) -> (vector<16xf32>, vector<16xf32>, vector<16xf32>, vector<16xf32>, vector<16xf32>, vector<16xf32>, vector<16xf32>, vector<16xf32>)  : i32 {
        %mul3A_105 = arith.constant 128 : i32
        %mul3A_106 = arith.muli %scan3A_96, %mul3A_105 : i32
        %add3A_107 = arith.constant 0 : i32
        %add3A_108 = arith.addi %mul3A_106, %add3A_107 : i32
        %get3A = arith.index_cast %add3A_108 : i32 to index
        %get3A_109 = tpu.vector_load %arg9[%get3A] {strides = array<i32>} : memref<16384xf32, #tpu.memory_space<vmem>>, vector<16xf32>,
        %add3A_110 = arith.constant 0 : i32
        %add3A_111 = arith.addi %mul3A_106, %add3A_110 : i32
        %get3A_112 = arith.index_cast %add3A_111 : i32 to index
        %get3A_113 = tpu.vector_load %arg7[%get3A_112] {strides = array<i32>} : memref<16384xf32, #tpu.memory_space<vmem>>, vector<16xf32>,
        %max3A = arith.constant -7.000000e+00 : f32
        %max3A_114 = vector.broadcast %max3A : f32 to vector<16xf32>
        %max3A_115 = arith.maximumf %get3A_109, %max3A_114 : vector<16xf32>
        %min3A = arith.constant 7.000000e+00 : f32
        %min3A_116 = vector.broadcast %min3A : f32 to vector<16xf32>
        %min3A_117 = arith.minimumf %max3A_115, %min3A_116 : vector<16xf32>
        %mul3A_118 = arith.constant 18.2142849 : f32
        %mul3A_119 = vector.broadcast %mul3A_118 : f32 to vector<16xf32>
        %mul3A_120 = arith.mulf %min3A_117, %mul3A_119 : vector<16xf32>
        %add3A_121 = arith.constant 1.280000e+02 : f32
        %add3A_122 = vector.broadcast %add3A_121 : f32 to vector<16xf32>
        %add3A_123 = arith.addf %mul3A_120, %add3A_122 : vector<16xf32>
        %convert_element_type3A = arith.fptosi %add3A_123 : vector<16xf32> to vector<16xi32>
        %gather3A = tpu.vector_load_idx %arg6[%convert_element_type3A] : memref<256xf32, #tpu.memory_space<vmem>>[vector<16xi32>], vector<16xf32>,
        %sub3A = arith.subf %get3A_113, %get3A_109 : vector<16xf32>
        %mul3A_124 = arith.mulf %sub3A, %sub3A : vector<16xf32>
        %mul3A_125 = arith.mulf %gather3A, %mul3A_124 : vector<16xf32>
        %add3A_126 = arith.addf %scan3A_97, %mul3A_125 : vector<16xf32>
        %add3A_127 = arith.constant 16 : i32
        %add3A_128 = arith.addi %mul3A_106, %add3A_127 : i32
        %get3A_129 = arith.index_cast %add3A_128 : i32 to index
        %get3A_130 = tpu.vector_load %arg9[%get3A_129] {strides = array<i32>} : memref<16384xf32, #tpu.memory_space<vmem>>, vector<16xf32>,
        %add3A_131 = arith.constant 16 : i32
        %add3A_132 = arith.addi %mul3A_106, %add3A_131 : i32
        %get3A_133 = arith.index_cast %add3A_132 : i32 to index
        %get3A_134 = tpu.vector_load %arg7[%get3A_133] {strides = array<i32>} : memref<16384xf32, #tpu.memory_space<vmem>>, vector<16xf32>,
        %max3A_135 = arith.constant -7.000000e+00 : f32
        %max3A_136 = vector.broadcast %max3A_135 : f32 to vector<16xf32>
        %max3A_137 = arith.maximumf %get3A_130, %max3A_136 : vector<16xf32>
        %min3A_138 = arith.constant 7.000000e+00 : f32
        %min3A_139 = vector.broadcast %min3A_138 : f32 to vector<16xf32>
        %min3A_140 = arith.minimumf %max3A_137, %min3A_139 : vector<16xf32>
        %mul3A_141 = arith.constant 18.2142849 : f32
        %mul3A_142 = vector.broadcast %mul3A_141 : f32 to vector<16xf32>
        %mul3A_143 = arith.mulf %min3A_140, %mul3A_142 : vector<16xf32>
        %add3A_144 = arith.constant 1.280000e+02 : f32
        %add3A_145 = vector.broadcast %add3A_144 : f32 to vector<16xf32>
        %add3A_146 = arith.addf %mul3A_143, %add3A_145 : vector<16xf32>
        %convert_element_type3A_147 = arith.fptosi %add3A_146 : vector<16xf32> to vector<16xi32>
        %gather3A_148 = tpu.vector_load_idx %arg6[%convert_element_type3A_147] : memref<256xf32, #tpu.memory_space<vmem>>[vector<16xi32>], vector<16xf32>,
        %sub3A_149 = arith.subf %get3A_134, %get3A_130 : vector<16xf32>
        %mul3A_150 = arith.mulf %sub3A_149, %sub3A_149 : vector<16xf32>
        %mul3A_151 = arith.mulf %gather3A_148, %mul3A_150 : vector<16xf32>
        %add3A_152 = arith.addf %scan3A_98, %mul3A_151 : vector<16xf32>
        %add3A_153 = arith.constant 32 : i32
        %add3A_154 = arith.addi %mul3A_106, %add3A_153 : i32
        %get3A_155 = arith.index_cast %add3A_154 : i32 to index
        %get3A_156 = tpu.vector_load %arg9[%get3A_155] {strides = array<i32>} : memref<16384xf32, #tpu.memory_space<vmem>>, vector<16xf32>,
        %add3A_157 = arith.constant 32 : i32
        %add3A_158 = arith.addi %mul3A_106, %add3A_157 : i32
        %get3A_159 = arith.index_cast %add3A_158 : i32 to index
        %get3A_160 = tpu.vector_load %arg7[%get3A_159] {strides = array<i32>} : memref<16384xf32, #tpu.memory_space<vmem>>, vector<16xf32>,
        %max3A_161 = arith.constant -7.000000e+00 : f32
        %max3A_162 = vector.broadcast %max3A_161 : f32 to vector<16xf32>
        %max3A_163 = arith.maximumf %get3A_156, %max3A_162 : vector<16xf32>
        %min3A_164 = arith.constant 7.000000e+00 : f32
        %min3A_165 = vector.broadcast %min3A_164 : f32 to vector<16xf32>
        %min3A_166 = arith.minimumf %max3A_163, %min3A_165 : vector<16xf32>
        %mul3A_167 = arith.constant 18.2142849 : f32
        %mul3A_168 = vector.broadcast %mul3A_167 : f32 to vector<16xf32>
        %mul3A_169 = arith.mulf %min3A_166, %mul3A_168 : vector<16xf32>
        %add3A_170 = arith.constant 1.280000e+02 : f32
        %add3A_171 = vector.broadcast %add3A_170 : f32 to vector<16xf32>
        %add3A_172 = arith.addf %mul3A_169, %add3A_171 : vector<16xf32>
        %convert_element_type3A_173 = arith.fptosi %add3A_172 : vector<16xf32> to vector<16xi32>
        %gather3A_174 = tpu.vector_load_idx %arg6[%convert_element_type3A_173] : memref<256xf32, #tpu.memory_space<vmem>>[vector<16xi32>], vector<16xf32>,
        %sub3A_175 = arith.subf %get3A_160, %get3A_156 : vector<16xf32>
        %mul3A_176 = arith.mulf %sub3A_175, %sub3A_175 : vector<16xf32>
        %mul3A_177 = arith.mulf %gather3A_174, %mul3A_176 : vector<16xf32>
        %add3A_178 = arith.addf %scan3A_99, %mul3A_177 : vector<16xf32>
        %add3A_179 = arith.constant 48 : i32
        %add3A_180 = arith.addi %mul3A_106, %add3A_179 : i32
        %get3A_181 = arith.index_cast %add3A_180 : i32 to index
        %get3A_182 = tpu.vector_load %arg9[%get3A_181] {strides = array<i32>} : memref<16384xf32, #tpu.memory_space<vmem>>, vector<16xf32>,
        %add3A_183 = arith.constant 48 : i32
        %add3A_184 = arith.addi %mul3A_106, %add3A_183 : i32
        %get3A_185 = arith.index_cast %add3A_184 : i32 to index
        %get3A_186 = tpu.vector_load %arg7[%get3A_185] {strides = array<i32>} : memref<16384xf32, #tpu.memory_space<vmem>>, vector<16xf32>,
        %max3A_187 = arith.constant -7.000000e+00 : f32
        %max3A_188 = vector.broadcast %max3A_187 : f32 to vector<16xf32>
        %max3A_189 = arith.maximumf %get3A_182, %max3A_188 : vector<16xf32>
        %min3A_190 = arith.constant 7.000000e+00 : f32
        %min3A_191 = vector.broadcast %min3A_190 : f32 to vector<16xf32>
        %min3A_192 = arith.minimumf %max3A_189, %min3A_191 : vector<16xf32>
        %mul3A_193 = arith.constant 18.2142849 : f32
        %mul3A_194 = vector.broadcast %mul3A_193 : f32 to vector<16xf32>
        %mul3A_195 = arith.mulf %min3A_192, %mul3A_194 : vector<16xf32>
        %add3A_196 = arith.constant 1.280000e+02 : f32
        %add3A_197 = vector.broadcast %add3A_196 : f32 to vector<16xf32>
        %add3A_198 = arith.addf %mul3A_195, %add3A_197 : vector<16xf32>
        %convert_element_type3A_199 = arith.fptosi %add3A_198 : vector<16xf32> to vector<16xi32>
        %gather3A_200 = tpu.vector_load_idx %arg6[%convert_element_type3A_199] : memref<256xf32, #tpu.memory_space<vmem>>[vector<16xi32>], vector<16xf32>,
        %sub3A_201 = arith.subf %get3A_186, %get3A_182 : vector<16xf32>
        %mul3A_202 = arith.mulf %sub3A_201, %sub3A_201 : vector<16xf32>
        %mul3A_203 = arith.mulf %gather3A_200, %mul3A_202 : vector<16xf32>
        %add3A_204 = arith.addf %scan3A_100, %mul3A_203 : vector<16xf32>
        %add3A_205 = arith.constant 64 : i32
        %add3A_206 = arith.addi %mul3A_106, %add3A_205 : i32
        %get3A_207 = arith.index_cast %add3A_206 : i32 to index
        %get3A_208 = tpu.vector_load %arg9[%get3A_207] {strides = array<i32>} : memref<16384xf32, #tpu.memory_space<vmem>>, vector<16xf32>,
        %add3A_209 = arith.constant 64 : i32
        %add3A_210 = arith.addi %mul3A_106, %add3A_209 : i32
        %get3A_211 = arith.index_cast %add3A_210 : i32 to index
        %get3A_212 = tpu.vector_load %arg7[%get3A_211] {strides = array<i32>} : memref<16384xf32, #tpu.memory_space<vmem>>, vector<16xf32>,
        %max3A_213 = arith.constant -7.000000e+00 : f32
        %max3A_214 = vector.broadcast %max3A_213 : f32 to vector<16xf32>
        %max3A_215 = arith.maximumf %get3A_208, %max3A_214 : vector<16xf32>
        %min3A_216 = arith.constant 7.000000e+00 : f32
        %min3A_217 = vector.broadcast %min3A_216 : f32 to vector<16xf32>
        %min3A_218 = arith.minimumf %max3A_215, %min3A_217 : vector<16xf32>
        %mul3A_219 = arith.constant 18.2142849 : f32
        %mul3A_220 = vector.broadcast %mul3A_219 : f32 to vector<16xf32>
        %mul3A_221 = arith.mulf %min3A_218, %mul3A_220 : vector<16xf32>
        %add3A_222 = arith.constant 1.280000e+02 : f32
        %add3A_223 = vector.broadcast %add3A_222 : f32 to vector<16xf32>
        %add3A_224 = arith.addf %mul3A_221, %add3A_223 : vector<16xf32>
        %convert_element_type3A_225 = arith.fptosi %add3A_224 : vector<16xf32> to vector<16xi32>
        %gather3A_226 = tpu.vector_load_idx %arg6[%convert_element_type3A_225] : memref<256xf32, #tpu.memory_space<vmem>>[vector<16xi32>], vector<16xf32>,
        %sub3A_227 = arith.subf %get3A_212, %get3A_208 : vector<16xf32>
        %mul3A_228 = arith.mulf %sub3A_227, %sub3A_227 : vector<16xf32>
        %mul3A_229 = arith.mulf %gather3A_226, %mul3A_228 : vector<16xf32>
        %add3A_230 = arith.addf %scan3A_101, %mul3A_229 : vector<16xf32>
        %add3A_231 = arith.constant 80 : i32
        %add3A_232 = arith.addi %mul3A_106, %add3A_231 : i32
        %get3A_233 = arith.index_cast %add3A_232 : i32 to index
        %get3A_234 = tpu.vector_load %arg9[%get3A_233] {strides = array<i32>} : memref<16384xf32, #tpu.memory_space<vmem>>, vector<16xf32>,
        %add3A_235 = arith.constant 80 : i32
        %add3A_236 = arith.addi %mul3A_106, %add3A_235 : i32
        %get3A_237 = arith.index_cast %add3A_236 : i32 to index
        %get3A_238 = tpu.vector_load %arg7[%get3A_237] {strides = array<i32>} : memref<16384xf32, #tpu.memory_space<vmem>>, vector<16xf32>,
        %max3A_239 = arith.constant -7.000000e+00 : f32
        %max3A_240 = vector.broadcast %max3A_239 : f32 to vector<16xf32>
        %max3A_241 = arith.maximumf %get3A_234, %max3A_240 : vector<16xf32>
        %min3A_242 = arith.constant 7.000000e+00 : f32
        %min3A_243 = vector.broadcast %min3A_242 : f32 to vector<16xf32>
        %min3A_244 = arith.minimumf %max3A_241, %min3A_243 : vector<16xf32>
        %mul3A_245 = arith.constant 18.2142849 : f32
        %mul3A_246 = vector.broadcast %mul3A_245 : f32 to vector<16xf32>
        %mul3A_247 = arith.mulf %min3A_244, %mul3A_246 : vector<16xf32>
        %add3A_248 = arith.constant 1.280000e+02 : f32
        %add3A_249 = vector.broadcast %add3A_248 : f32 to vector<16xf32>
        %add3A_250 = arith.addf %mul3A_247, %add3A_249 : vector<16xf32>
        %convert_element_type3A_251 = arith.fptosi %add3A_250 : vector<16xf32> to vector<16xi32>
        %gather3A_252 = tpu.vector_load_idx %arg6[%convert_element_type3A_251] : memref<256xf32, #tpu.memory_space<vmem>>[vector<16xi32>], vector<16xf32>,
        %sub3A_253 = arith.subf %get3A_238, %get3A_234 : vector<16xf32>
        %mul3A_254 = arith.mulf %sub3A_253, %sub3A_253 : vector<16xf32>
        %mul3A_255 = arith.mulf %gather3A_252, %mul3A_254 : vector<16xf32>
        %add3A_256 = arith.addf %scan3A_102, %mul3A_255 : vector<16xf32>
        %add3A_257 = arith.constant 96 : i32
        %add3A_258 = arith.addi %mul3A_106, %add3A_257 : i32
        %get3A_259 = arith.index_cast %add3A_258 : i32 to index
        %get3A_260 = tpu.vector_load %arg9[%get3A_259] {strides = array<i32>} : memref<16384xf32, #tpu.memory_space<vmem>>, vector<16xf32>,
        %add3A_261 = arith.constant 96 : i32
        %add3A_262 = arith.addi %mul3A_106, %add3A_261 : i32
        %get3A_263 = arith.index_cast %add3A_262 : i32 to index
        %get3A_264 = tpu.vector_load %arg7[%get3A_263] {strides = array<i32>} : memref<16384xf32, #tpu.memory_space<vmem>>, vector<16xf32>,
        %max3A_265 = arith.constant -7.000000e+00 : f32
        %max3A_266 = vector.broadcast %max3A_265 : f32 to vector<16xf32>
        %max3A_267 = arith.maximumf %get3A_260, %max3A_266 : vector<16xf32>
        %min3A_268 = arith.constant 7.000000e+00 : f32
        %min3A_269 = vector.broadcast %min3A_268 : f32 to vector<16xf32>
        %min3A_270 = arith.minimumf %max3A_267, %min3A_269 : vector<16xf32>
        %mul3A_271 = arith.constant 18.2142849 : f32
        %mul3A_272 = vector.broadcast %mul3A_271 : f32 to vector<16xf32>
        %mul3A_273 = arith.mulf %min3A_270, %mul3A_272 : vector<16xf32>
        %add3A_274 = arith.constant 1.280000e+02 : f32
        %add3A_275 = vector.broadcast %add3A_274 : f32 to vector<16xf32>
        %add3A_276 = arith.addf %mul3A_273, %add3A_275 : vector<16xf32>
        %convert_element_type3A_277 = arith.fptosi %add3A_276 : vector<16xf32> to vector<16xi32>
        %gather3A_278 = tpu.vector_load_idx %arg6[%convert_element_type3A_277] : memref<256xf32, #tpu.memory_space<vmem>>[vector<16xi32>], vector<16xf32>,
        %sub3A_279 = arith.subf %get3A_264, %get3A_260 : vector<16xf32>
        %mul3A_280 = arith.mulf %sub3A_279, %sub3A_279 : vector<16xf32>
        %mul3A_281 = arith.mulf %gather3A_278, %mul3A_280 : vector<16xf32>
        %add3A_282 = arith.addf %scan3A_103, %mul3A_281 : vector<16xf32>
        %add3A_283 = arith.constant 112 : i32
        %add3A_284 = arith.addi %mul3A_106, %add3A_283 : i32
        %get3A_285 = arith.index_cast %add3A_284 : i32 to index
        %get3A_286 = tpu.vector_load %arg9[%get3A_285] {strides = array<i32>} : memref<16384xf32, #tpu.memory_space<vmem>>, vector<16xf32>,
        %add3A_287 = arith.constant 112 : i32
        %add3A_288 = arith.addi %mul3A_106, %add3A_287 : i32
        %get3A_289 = arith.index_cast %add3A_288 : i32 to index
        %get3A_290 = tpu.vector_load %arg7[%get3A_289] {strides = array<i32>} : memref<16384xf32, #tpu.memory_space<vmem>>, vector<16xf32>,
        %max3A_291 = arith.constant -7.000000e+00 : f32
        %max3A_292 = vector.broadcast %max3A_291 : f32 to vector<16xf32>
        %max3A_293 = arith.maximumf %get3A_286, %max3A_292 : vector<16xf32>
        %min3A_294 = arith.constant 7.000000e+00 : f32
        %min3A_295 = vector.broadcast %min3A_294 : f32 to vector<16xf32>
        %min3A_296 = arith.minimumf %max3A_293, %min3A_295 : vector<16xf32>
        %mul3A_297 = arith.constant 18.2142849 : f32
        %mul3A_298 = vector.broadcast %mul3A_297 : f32 to vector<16xf32>
        %mul3A_299 = arith.mulf %min3A_296, %mul3A_298 : vector<16xf32>
        %add3A_300 = arith.constant 1.280000e+02 : f32
        %add3A_301 = vector.broadcast %add3A_300 : f32 to vector<16xf32>
        %add3A_302 = arith.addf %mul3A_299, %add3A_301 : vector<16xf32>
        %convert_element_type3A_303 = arith.fptosi %add3A_302 : vector<16xf32> to vector<16xi32>
        %gather3A_304 = tpu.vector_load_idx %arg6[%convert_element_type3A_303] : memref<256xf32, #tpu.memory_space<vmem>>[vector<16xi32>], vector<16xf32>,
        %sub3A_305 = arith.subf %get3A_290, %get3A_286 : vector<16xf32>
        %mul3A_306 = arith.mulf %sub3A_305, %sub3A_305 : vector<16xf32>
        %mul3A_307 = arith.mulf %gather3A_304, %mul3A_306 : vector<16xf32>
        %add3A_308 = arith.addf %scan3A_104, %mul3A_307 : vector<16xf32>
        scf.yield %add3A_126, %add3A_152, %add3A_178, %add3A_204, %add3A_230, %add3A_256, %add3A_282, %add3A_308 : vector<16xf32>, vector<16xf32>, vector<16xf32>, vector<16xf32>, vector<16xf32>, vector<16xf32>, vector<16xf32>, vector<16xf32>
      }
      %scan3A_67 = arith.constant 128 : i32
      %add3A_68 = arith.constant 2 : i32
      %add3A_69 = arith.addi %mul3A_57, %add3A_68 : i32
      %mul3A_70 = arith.constant 16384 : i32
      %mul3A_71 = arith.muli %add3A_69, %mul3A_70 : i32
      %add3A_72 = arith.addi %mul3A_2, %mul3A_71 : i32
      %dma_start3A_73 = tpu.memref_slice %arg2[%add3A_72] : memref<16777216xf32, #tpu.memory_space<hbm>> -> memref<16384xf32, #tpu.memory_space<hbm>>
      %dma_start3A_74 = tpu.memref_slice %arg2[%add3A_72] : memref<16777216xf32, #tpu.memory_space<hbm>> -> memref<16384xf32, #tpu.memory_space<hbm>>
      tpu.enqueue_dma source(%dma_start3A_74 : memref<16384xf32, #tpu.memory_space<hbm>>) target(%arg7 : memref<16384xf32, #tpu.memory_space<vmem>>) target_semaphore(%arg12 : memref<!tpu.dma_semaphore, #tpu.memory_space<semaphore_mem>>)
      %dma_start3A_75 = tpu.memref_slice %arg3[%add3A_72] : memref<16777216xf32, #tpu.memory_space<hbm>> -> memref<16384xf32, #tpu.memory_space<hbm>>
      %dma_start3A_76 = tpu.memref_slice %arg3[%add3A_72] : memref<16777216xf32, #tpu.memory_space<hbm>> -> memref<16384xf32, #tpu.memory_space<hbm>>
      tpu.enqueue_dma source(%dma_start3A_76 : memref<16384xf32, #tpu.memory_space<hbm>>) target(%arg9 : memref<16384xf32, #tpu.memory_space<vmem>>) target_semaphore(%arg14 : memref<!tpu.dma_semaphore, #tpu.memory_space<semaphore_mem>>)
      %dma_wait3A_77 = tpu.memref_slice %arg2[%mul3A_2] : memref<16777216xf32, #tpu.memory_space<hbm>> -> memref<16384xf32, #tpu.memory_space<hbm>>
      %dma_wait3A_78 = tpu.memref_slice %arg2[%mul3A_2] : memref<16777216xf32, #tpu.memory_space<hbm>> -> memref<16384xf32, #tpu.memory_space<hbm>>
      tpu.wait_dma2 semaphore(%arg13 : memref<!tpu.dma_semaphore, #tpu.memory_space<semaphore_mem>>) src(%dma_wait3A_78 : memref<16384xf32, #tpu.memory_space<hbm>>) dst(%arg8 : memref<16384xf32, #tpu.memory_space<vmem>>)
      %dma_wait3A_79 = tpu.memref_slice %arg3[%mul3A_2] : memref<16777216xf32, #tpu.memory_space<hbm>> -> memref<16384xf32, #tpu.memory_space<hbm>>
      %dma_wait3A_80 = tpu.memref_slice %arg3[%mul3A_2] : memref<16777216xf32, #tpu.memory_space<hbm>> -> memref<16384xf32, #tpu.memory_space<hbm>>
      tpu.wait_dma2 semaphore(%arg15 : memref<!tpu.dma_semaphore, #tpu.memory_space<semaphore_mem>>) src(%dma_wait3A_80 : memref<16384xf32, #tpu.memory_space<hbm>>) dst(%arg10 : memref<16384xf32, #tpu.memory_space<vmem>>)
      %scan3A_81 = arith.constant 0 : i32
      %scan3A_82 = arith.constant 128 : i32
      %scan3A_83 = arith.addi %scan3A_81, %scan3A_82 : i32
      %scan3A_84 = arith.constant 1 : i32
      %scan3A_85:8 = scf.for %scan3A_96 = %scan3A_81 to %scan3A_83 step %scan3A_84 iter_args(%scan3A_97 = %scan3A_66#0, %scan3A_98 = %scan3A_66#1, %scan3A_99 = %scan3A_66#2, %scan3A_100 = %scan3A_66#3, %scan3A_101 = %scan3A_66#4, %scan3A_102 = %scan3A_66#5, %scan3A_103 = %scan3A_66#6, %scan3A_104 = %scan3A_66#7) -> (vector<16xf32>, vector<16xf32>, vector<16xf32>, vector<16xf32>, vector<16xf32>, vector<16xf32>, vector<16xf32>, vector<16xf32>)  : i32 {
        %mul3A_105 = arith.constant 128 : i32
        %mul3A_106 = arith.muli %scan3A_96, %mul3A_105 : i32
        %add3A_107 = arith.constant 0 : i32
        %add3A_108 = arith.addi %mul3A_106, %add3A_107 : i32
        %get3A = arith.index_cast %add3A_108 : i32 to index
        %get3A_109 = tpu.vector_load %arg10[%get3A] {strides = array<i32>} : memref<16384xf32, #tpu.memory_space<vmem>>, vector<16xf32>,
        %add3A_110 = arith.constant 0 : i32
        %add3A_111 = arith.addi %mul3A_106, %add3A_110 : i32
        %get3A_112 = arith.index_cast %add3A_111 : i32 to index
        %get3A_113 = tpu.vector_load %arg8[%get3A_112] {strides = array<i32>} : memref<16384xf32, #tpu.memory_space<vmem>>, vector<16xf32>,
        %max3A = arith.constant -7.000000e+00 : f32
        %max3A_114 = vector.broadcast %max3A : f32 to vector<16xf32>
        %max3A_115 = arith.maximumf %get3A_109, %max3A_114 : vector<16xf32>
        %min3A = arith.constant 7.000000e+00 : f32
        %min3A_116 = vector.broadcast %min3A : f32 to vector<16xf32>
        %min3A_117 = arith.minimumf %max3A_115, %min3A_116 : vector<16xf32>
        %mul3A_118 = arith.constant 18.2142849 : f32
        %mul3A_119 = vector.broadcast %mul3A_118 : f32 to vector<16xf32>
        %mul3A_120 = arith.mulf %min3A_117, %mul3A_119 : vector<16xf32>
        %add3A_121 = arith.constant 1.280000e+02 : f32
        %add3A_122 = vector.broadcast %add3A_121 : f32 to vector<16xf32>
        %add3A_123 = arith.addf %mul3A_120, %add3A_122 : vector<16xf32>
        %convert_element_type3A = arith.fptosi %add3A_123 : vector<16xf32> to vector<16xi32>
        %gather3A = tpu.vector_load_idx %arg6[%convert_element_type3A] : memref<256xf32, #tpu.memory_space<vmem>>[vector<16xi32>], vector<16xf32>,
        %sub3A = arith.subf %get3A_113, %get3A_109 : vector<16xf32>
        %mul3A_124 = arith.mulf %sub3A, %sub3A : vector<16xf32>
        %mul3A_125 = arith.mulf %gather3A, %mul3A_124 : vector<16xf32>
        %add3A_126 = arith.addf %scan3A_97, %mul3A_125 : vector<16xf32>
        %add3A_127 = arith.constant 16 : i32
        %add3A_128 = arith.addi %mul3A_106, %add3A_127 : i32
        %get3A_129 = arith.index_cast %add3A_128 : i32 to index
        %get3A_130 = tpu.vector_load %arg10[%get3A_129] {strides = array<i32>} : memref<16384xf32, #tpu.memory_space<vmem>>, vector<16xf32>,
        %add3A_131 = arith.constant 16 : i32
        %add3A_132 = arith.addi %mul3A_106, %add3A_131 : i32
        %get3A_133 = arith.index_cast %add3A_132 : i32 to index
        %get3A_134 = tpu.vector_load %arg8[%get3A_133] {strides = array<i32>} : memref<16384xf32, #tpu.memory_space<vmem>>, vector<16xf32>,
        %max3A_135 = arith.constant -7.000000e+00 : f32
        %max3A_136 = vector.broadcast %max3A_135 : f32 to vector<16xf32>
        %max3A_137 = arith.maximumf %get3A_130, %max3A_136 : vector<16xf32>
        %min3A_138 = arith.constant 7.000000e+00 : f32
        %min3A_139 = vector.broadcast %min3A_138 : f32 to vector<16xf32>
        %min3A_140 = arith.minimumf %max3A_137, %min3A_139 : vector<16xf32>
        %mul3A_141 = arith.constant 18.2142849 : f32
        %mul3A_142 = vector.broadcast %mul3A_141 : f32 to vector<16xf32>
        %mul3A_143 = arith.mulf %min3A_140, %mul3A_142 : vector<16xf32>
        %add3A_144 = arith.constant 1.280000e+02 : f32
        %add3A_145 = vector.broadcast %add3A_144 : f32 to vector<16xf32>
        %add3A_146 = arith.addf %mul3A_143, %add3A_145 : vector<16xf32>
        %convert_element_type3A_147 = arith.fptosi %add3A_146 : vector<16xf32> to vector<16xi32>
        %gather3A_148 = tpu.vector_load_idx %arg6[%convert_element_type3A_147] : memref<256xf32, #tpu.memory_space<vmem>>[vector<16xi32>], vector<16xf32>,
        %sub3A_149 = arith.subf %get3A_134, %get3A_130 : vector<16xf32>
        %mul3A_150 = arith.mulf %sub3A_149, %sub3A_149 : vector<16xf32>
        %mul3A_151 = arith.mulf %gather3A_148, %mul3A_150 : vector<16xf32>
        %add3A_152 = arith.addf %scan3A_98, %mul3A_151 : vector<16xf32>
        %add3A_153 = arith.constant 32 : i32
        %add3A_154 = arith.addi %mul3A_106, %add3A_153 : i32
        %get3A_155 = arith.index_cast %add3A_154 : i32 to index
        %get3A_156 = tpu.vector_load %arg10[%get3A_155] {strides = array<i32>} : memref<16384xf32, #tpu.memory_space<vmem>>, vector<16xf32>,
        %add3A_157 = arith.constant 32 : i32
        %add3A_158 = arith.addi %mul3A_106, %add3A_157 : i32
        %get3A_159 = arith.index_cast %add3A_158 : i32 to index
        %get3A_160 = tpu.vector_load %arg8[%get3A_159] {strides = array<i32>} : memref<16384xf32, #tpu.memory_space<vmem>>, vector<16xf32>,
        %max3A_161 = arith.constant -7.000000e+00 : f32
        %max3A_162 = vector.broadcast %max3A_161 : f32 to vector<16xf32>
        %max3A_163 = arith.maximumf %get3A_156, %max3A_162 : vector<16xf32>
        %min3A_164 = arith.constant 7.000000e+00 : f32
        %min3A_165 = vector.broadcast %min3A_164 : f32 to vector<16xf32>
        %min3A_166 = arith.minimumf %max3A_163, %min3A_165 : vector<16xf32>
        %mul3A_167 = arith.constant 18.2142849 : f32
        %mul3A_168 = vector.broadcast %mul3A_167 : f32 to vector<16xf32>
        %mul3A_169 = arith.mulf %min3A_166, %mul3A_168 : vector<16xf32>
        %add3A_170 = arith.constant 1.280000e+02 : f32
        %add3A_171 = vector.broadcast %add3A_170 : f32 to vector<16xf32>
        %add3A_172 = arith.addf %mul3A_169, %add3A_171 : vector<16xf32>
        %convert_element_type3A_173 = arith.fptosi %add3A_172 : vector<16xf32> to vector<16xi32>
        %gather3A_174 = tpu.vector_load_idx %arg6[%convert_element_type3A_173] : memref<256xf32, #tpu.memory_space<vmem>>[vector<16xi32>], vector<16xf32>,
        %sub3A_175 = arith.subf %get3A_160, %get3A_156 : vector<16xf32>
        %mul3A_176 = arith.mulf %sub3A_175, %sub3A_175 : vector<16xf32>
        %mul3A_177 = arith.mulf %gather3A_174, %mul3A_176 : vector<16xf32>
        %add3A_178 = arith.addf %scan3A_99, %mul3A_177 : vector<16xf32>
        %add3A_179 = arith.constant 48 : i32
        %add3A_180 = arith.addi %mul3A_106, %add3A_179 : i32
        %get3A_181 = arith.index_cast %add3A_180 : i32 to index
        %get3A_182 = tpu.vector_load %arg10[%get3A_181] {strides = array<i32>} : memref<16384xf32, #tpu.memory_space<vmem>>, vector<16xf32>,
        %add3A_183 = arith.constant 48 : i32
        %add3A_184 = arith.addi %mul3A_106, %add3A_183 : i32
        %get3A_185 = arith.index_cast %add3A_184 : i32 to index
        %get3A_186 = tpu.vector_load %arg8[%get3A_185] {strides = array<i32>} : memref<16384xf32, #tpu.memory_space<vmem>>, vector<16xf32>,
        %max3A_187 = arith.constant -7.000000e+00 : f32
        %max3A_188 = vector.broadcast %max3A_187 : f32 to vector<16xf32>
        %max3A_189 = arith.maximumf %get3A_182, %max3A_188 : vector<16xf32>
        %min3A_190 = arith.constant 7.000000e+00 : f32
        %min3A_191 = vector.broadcast %min3A_190 : f32 to vector<16xf32>
        %min3A_192 = arith.minimumf %max3A_189, %min3A_191 : vector<16xf32>
        %mul3A_193 = arith.constant 18.2142849 : f32
        %mul3A_194 = vector.broadcast %mul3A_193 : f32 to vector<16xf32>
        %mul3A_195 = arith.mulf %min3A_192, %mul3A_194 : vector<16xf32>
        %add3A_196 = arith.constant 1.280000e+02 : f32
        %add3A_197 = vector.broadcast %add3A_196 : f32 to vector<16xf32>
        %add3A_198 = arith.addf %mul3A_195, %add3A_197 : vector<16xf32>
        %convert_element_type3A_199 = arith.fptosi %add3A_198 : vector<16xf32> to vector<16xi32>
        %gather3A_200 = tpu.vector_load_idx %arg6[%convert_element_type3A_199] : memref<256xf32, #tpu.memory_space<vmem>>[vector<16xi32>], vector<16xf32>,
        %sub3A_201 = arith.subf %get3A_186, %get3A_182 : vector<16xf32>
        %mul3A_202 = arith.mulf %sub3A_201, %sub3A_201 : vector<16xf32>
        %mul3A_203 = arith.mulf %gather3A_200, %mul3A_202 : vector<16xf32>
        %add3A_204 = arith.addf %scan3A_100, %mul3A_203 : vector<16xf32>
        %add3A_205 = arith.constant 64 : i32
        %add3A_206 = arith.addi %mul3A_106, %add3A_205 : i32
        %get3A_207 = arith.index_cast %add3A_206 : i32 to index
        %get3A_208 = tpu.vector_load %arg10[%get3A_207] {strides = array<i32>} : memref<16384xf32, #tpu.memory_space<vmem>>, vector<16xf32>,
        %add3A_209 = arith.constant 64 : i32
        %add3A_210 = arith.addi %mul3A_106, %add3A_209 : i32
        %get3A_211 = arith.index_cast %add3A_210 : i32 to index
        %get3A_212 = tpu.vector_load %arg8[%get3A_211] {strides = array<i32>} : memref<16384xf32, #tpu.memory_space<vmem>>, vector<16xf32>,
        %max3A_213 = arith.constant -7.000000e+00 : f32
        %max3A_214 = vector.broadcast %max3A_213 : f32 to vector<16xf32>
        %max3A_215 = arith.maximumf %get3A_208, %max3A_214 : vector<16xf32>
        %min3A_216 = arith.constant 7.000000e+00 : f32
        %min3A_217 = vector.broadcast %min3A_216 : f32 to vector<16xf32>
        %min3A_218 = arith.minimumf %max3A_215, %min3A_217 : vector<16xf32>
        %mul3A_219 = arith.constant 18.2142849 : f32
        %mul3A_220 = vector.broadcast %mul3A_219 : f32 to vector<16xf32>
        %mul3A_221 = arith.mulf %min3A_218, %mul3A_220 : vector<16xf32>
        %add3A_222 = arith.constant 1.280000e+02 : f32
        %add3A_223 = vector.broadcast %add3A_222 : f32 to vector<16xf32>
        %add3A_224 = arith.addf %mul3A_221, %add3A_223 : vector<16xf32>
        %convert_element_type3A_225 = arith.fptosi %add3A_224 : vector<16xf32> to vector<16xi32>
        %gather3A_226 = tpu.vector_load_idx %arg6[%convert_element_type3A_225] : memref<256xf32, #tpu.memory_space<vmem>>[vector<16xi32>], vector<16xf32>,
        %sub3A_227 = arith.subf %get3A_212, %get3A_208 : vector<16xf32>
        %mul3A_228 = arith.mulf %sub3A_227, %sub3A_227 : vector<16xf32>
        %mul3A_229 = arith.mulf %gather3A_226, %mul3A_228 : vector<16xf32>
        %add3A_230 = arith.addf %scan3A_101, %mul3A_229 : vector<16xf32>
        %add3A_231 = arith.constant 80 : i32
        %add3A_232 = arith.addi %mul3A_106, %add3A_231 : i32
        %get3A_233 = arith.index_cast %add3A_232 : i32 to index
        %get3A_234 = tpu.vector_load %arg10[%get3A_233] {strides = array<i32>} : memref<16384xf32, #tpu.memory_space<vmem>>, vector<16xf32>,
        %add3A_235 = arith.constant 80 : i32
        %add3A_236 = arith.addi %mul3A_106, %add3A_235 : i32
        %get3A_237 = arith.index_cast %add3A_236 : i32 to index
        %get3A_238 = tpu.vector_load %arg8[%get3A_237] {strides = array<i32>} : memref<16384xf32, #tpu.memory_space<vmem>>, vector<16xf32>,
        %max3A_239 = arith.constant -7.000000e+00 : f32
        %max3A_240 = vector.broadcast %max3A_239 : f32 to vector<16xf32>
        %max3A_241 = arith.maximumf %get3A_234, %max3A_240 : vector<16xf32>
        %min3A_242 = arith.constant 7.000000e+00 : f32
        %min3A_243 = vector.broadcast %min3A_242 : f32 to vector<16xf32>
        %min3A_244 = arith.minimumf %max3A_241, %min3A_243 : vector<16xf32>
        %mul3A_245 = arith.constant 18.2142849 : f32
        %mul3A_246 = vector.broadcast %mul3A_245 : f32 to vector<16xf32>
        %mul3A_247 = arith.mulf %min3A_244, %mul3A_246 : vector<16xf32>
        %add3A_248 = arith.constant 1.280000e+02 : f32
        %add3A_249 = vector.broadcast %add3A_248 : f32 to vector<16xf32>
        %add3A_250 = arith.addf %mul3A_247, %add3A_249 : vector<16xf32>
        %convert_element_type3A_251 = arith.fptosi %add3A_250 : vector<16xf32> to vector<16xi32>
        %gather3A_252 = tpu.vector_load_idx %arg6[%convert_element_type3A_251] : memref<256xf32, #tpu.memory_space<vmem>>[vector<16xi32>], vector<16xf32>,
        %sub3A_253 = arith.subf %get3A_238, %get3A_234 : vector<16xf32>
        %mul3A_254 = arith.mulf %sub3A_253, %sub3A_253 : vector<16xf32>
        %mul3A_255 = arith.mulf %gather3A_252, %mul3A_254 : vector<16xf32>
        %add3A_256 = arith.addf %scan3A_102, %mul3A_255 : vector<16xf32>
        %add3A_257 = arith.constant 96 : i32
        %add3A_258 = arith.addi %mul3A_106, %add3A_257 : i32
        %get3A_259 = arith.index_cast %add3A_258 : i32 to index
        %get3A_260 = tpu.vector_load %arg10[%get3A_259] {strides = array<i32>} : memref<16384xf32, #tpu.memory_space<vmem>>, vector<16xf32>,
        %add3A_261 = arith.constant 96 : i32
        %add3A_262 = arith.addi %mul3A_106, %add3A_261 : i32
        %get3A_263 = arith.index_cast %add3A_262 : i32 to index
        %get3A_264 = tpu.vector_load %arg8[%get3A_263] {strides = array<i32>} : memref<16384xf32, #tpu.memory_space<vmem>>, vector<16xf32>,
        %max3A_265 = arith.constant -7.000000e+00 : f32
        %max3A_266 = vector.broadcast %max3A_265 : f32 to vector<16xf32>
        %max3A_267 = arith.maximumf %get3A_260, %max3A_266 : vector<16xf32>
        %min3A_268 = arith.constant 7.000000e+00 : f32
        %min3A_269 = vector.broadcast %min3A_268 : f32 to vector<16xf32>
        %min3A_270 = arith.minimumf %max3A_267, %min3A_269 : vector<16xf32>
        %mul3A_271 = arith.constant 18.2142849 : f32
        %mul3A_272 = vector.broadcast %mul3A_271 : f32 to vector<16xf32>
        %mul3A_273 = arith.mulf %min3A_270, %mul3A_272 : vector<16xf32>
        %add3A_274 = arith.constant 1.280000e+02 : f32
        %add3A_275 = vector.broadcast %add3A_274 : f32 to vector<16xf32>
        %add3A_276 = arith.addf %mul3A_273, %add3A_275 : vector<16xf32>
        %convert_element_type3A_277 = arith.fptosi %add3A_276 : vector<16xf32> to vector<16xi32>
        %gather3A_278 = tpu.vector_load_idx %arg6[%convert_element_type3A_277] : memref<256xf32, #tpu.memory_space<vmem>>[vector<16xi32>], vector<16xf32>,
        %sub3A_279 = arith.subf %get3A_264, %get3A_260 : vector<16xf32>
        %mul3A_280 = arith.mulf %sub3A_279, %sub3A_279 : vector<16xf32>
        %mul3A_281 = arith.mulf %gather3A_278, %mul3A_280 : vector<16xf32>
        %add3A_282 = arith.addf %scan3A_103, %mul3A_281 : vector<16xf32>
        %add3A_283 = arith.constant 112 : i32
        %add3A_284 = arith.addi %mul3A_106, %add3A_283 : i32
        %get3A_285 = arith.index_cast %add3A_284 : i32 to index
        %get3A_286 = tpu.vector_load %arg10[%get3A_285] {strides = array<i32>} : memref<16384xf32, #tpu.memory_space<vmem>>, vector<16xf32>,
        %add3A_287 = arith.constant 112 : i32
        %add3A_288 = arith.addi %mul3A_106, %add3A_287 : i32
        %get3A_289 = arith.index_cast %add3A_288 : i32 to index
        %get3A_290 = tpu.vector_load %arg8[%get3A_289] {strides = array<i32>} : memref<16384xf32, #tpu.memory_space<vmem>>, vector<16xf32>,
        %max3A_291 = arith.constant -7.000000e+00 : f32
        %max3A_292 = vector.broadcast %max3A_291 : f32 to vector<16xf32>
        %max3A_293 = arith.maximumf %get3A_286, %max3A_292 : vector<16xf32>
        %min3A_294 = arith.constant 7.000000e+00 : f32
        %min3A_295 = vector.broadcast %min3A_294 : f32 to vector<16xf32>
        %min3A_296 = arith.minimumf %max3A_293, %min3A_295 : vector<16xf32>
        %mul3A_297 = arith.constant 18.2142849 : f32
        %mul3A_298 = vector.broadcast %mul3A_297 : f32 to vector<16xf32>
        %mul3A_299 = arith.mulf %min3A_296, %mul3A_298 : vector<16xf32>
        %add3A_300 = arith.constant 1.280000e+02 : f32
        %add3A_301 = vector.broadcast %add3A_300 : f32 to vector<16xf32>
        %add3A_302 = arith.addf %mul3A_299, %add3A_301 : vector<16xf32>
        %convert_element_type3A_303 = arith.fptosi %add3A_302 : vector<16xf32> to vector<16xi32>
        %gather3A_304 = tpu.vector_load_idx %arg6[%convert_element_type3A_303] : memref<256xf32, #tpu.memory_space<vmem>>[vector<16xi32>], vector<16xf32>,
        %sub3A_305 = arith.subf %get3A_290, %get3A_286 : vector<16xf32>
        %mul3A_306 = arith.mulf %sub3A_305, %sub3A_305 : vector<16xf32>
        %mul3A_307 = arith.mulf %gather3A_304, %mul3A_306 : vector<16xf32>
        %add3A_308 = arith.addf %scan3A_104, %mul3A_307 : vector<16xf32>
        scf.yield %add3A_126, %add3A_152, %add3A_178, %add3A_204, %add3A_230, %add3A_256, %add3A_282, %add3A_308 : vector<16xf32>, vector<16xf32>, vector<16xf32>, vector<16xf32>, vector<16xf32>, vector<16xf32>, vector<16xf32>, vector<16xf32>
      }
      %scan3A_86 = arith.constant 128 : i32
      %add3A_87 = arith.constant 3 : i32
      %add3A_88 = arith.addi %mul3A_57, %add3A_87 : i32
      %mul3A_89 = arith.constant 16384 : i32
      %mul3A_90 = arith.muli %add3A_88, %mul3A_89 : i32
      %add3A_91 = arith.addi %mul3A_2, %mul3A_90 : i32
      %dma_start3A_92 = tpu.memref_slice %arg2[%add3A_91] : memref<16777216xf32, #tpu.memory_space<hbm>> -> memref<16384xf32, #tpu.memory_space<hbm>>
      %dma_start3A_93 = tpu.memref_slice %arg2[%add3A_91] : memref<16777216xf32, #tpu.memory_space<hbm>> -> memref<16384xf32, #tpu.memory_space<hbm>>
      tpu.enqueue_dma source(%dma_start3A_93 : memref<16384xf32, #tpu.memory_space<hbm>>) target(%arg8 : memref<16384xf32, #tpu.memory_space<vmem>>) target_semaphore(%arg13 : memref<!tpu.dma_semaphore, #tpu.memory_space<semaphore_mem>>)
      %dma_start3A_94 = tpu.memref_slice %arg3[%add3A_91] : memref<16777216xf32, #tpu.memory_space<hbm>> -> memref<16384xf32, #tpu.memory_space<hbm>>
      %dma_start3A_95 = tpu.memref_slice %arg3[%add3A_91] : memref<16777216xf32, #tpu.memory_space<hbm>> -> memref<16384xf32, #tpu.memory_space<hbm>>
      tpu.enqueue_dma source(%dma_start3A_95 : memref<16384xf32, #tpu.memory_space<hbm>>) target(%arg10 : memref<16384xf32, #tpu.memory_space<vmem>>) target_semaphore(%arg15 : memref<!tpu.dma_semaphore, #tpu.memory_space<semaphore_mem>>)
      scf.yield %scan3A_85#0, %scan3A_85#1, %scan3A_85#2, %scan3A_85#3, %scan3A_85#4, %scan3A_85#5, %scan3A_85#6, %scan3A_85#7 : vector<16xf32>, vector<16xf32>, vector<16xf32>, vector<16xf32>, vector<16xf32>, vector<16xf32>, vector<16xf32>, vector<16xf32>
    }
    %scan3A_19 = arith.constant 15 : i32
    %dma_wait3A = tpu.memref_slice %arg2[%mul3A_2] : memref<16777216xf32, #tpu.memory_space<hbm>> -> memref<16384xf32, #tpu.memory_space<hbm>>
    %dma_wait3A_20 = tpu.memref_slice %arg2[%mul3A_2] : memref<16777216xf32, #tpu.memory_space<hbm>> -> memref<16384xf32, #tpu.memory_space<hbm>>
    tpu.wait_dma2 semaphore(%arg12 : memref<!tpu.dma_semaphore, #tpu.memory_space<semaphore_mem>>) src(%dma_wait3A_20 : memref<16384xf32, #tpu.memory_space<hbm>>) dst(%arg7 : memref<16384xf32, #tpu.memory_space<vmem>>)
    %dma_wait3A_21 = tpu.memref_slice %arg3[%mul3A_2] : memref<16777216xf32, #tpu.memory_space<hbm>> -> memref<16384xf32, #tpu.memory_space<hbm>>
    %dma_wait3A_22 = tpu.memref_slice %arg3[%mul3A_2] : memref<16777216xf32, #tpu.memory_space<hbm>> -> memref<16384xf32, #tpu.memory_space<hbm>>
    tpu.wait_dma2 semaphore(%arg14 : memref<!tpu.dma_semaphore, #tpu.memory_space<semaphore_mem>>) src(%dma_wait3A_22 : memref<16384xf32, #tpu.memory_space<hbm>>) dst(%arg9 : memref<16384xf32, #tpu.memory_space<vmem>>)
    %scan3A_23 = arith.constant 0 : i32
    %scan3A_24 = arith.constant 128 : i32
    %scan3A_25 = arith.addi %scan3A_23, %scan3A_24 : i32
    %scan3A_26 = arith.constant 1 : i32
    %scan3A_27:8 = scf.for %scan3A_47 = %scan3A_23 to %scan3A_25 step %scan3A_26 iter_args(%scan3A_48 = %scan3A_18#0, %scan3A_49 = %scan3A_18#1, %scan3A_50 = %scan3A_18#2, %scan3A_51 = %scan3A_18#3, %scan3A_52 = %scan3A_18#4, %scan3A_53 = %scan3A_18#5, %scan3A_54 = %scan3A_18#6, %scan3A_55 = %scan3A_18#7) -> (vector<16xf32>, vector<16xf32>, vector<16xf32>, vector<16xf32>, vector<16xf32>, vector<16xf32>, vector<16xf32>, vector<16xf32>)  : i32 {
      %mul3A_56 = arith.constant 128 : i32
      %mul3A_57 = arith.muli %scan3A_47, %mul3A_56 : i32
      %add3A_58 = arith.constant 0 : i32
      %add3A_59 = arith.addi %mul3A_57, %add3A_58 : i32
      %get3A = arith.index_cast %add3A_59 : i32 to index
      %get3A_60 = tpu.vector_load %arg9[%get3A] {strides = array<i32>} : memref<16384xf32, #tpu.memory_space<vmem>>, vector<16xf32>,
      %add3A_61 = arith.constant 0 : i32
      %add3A_62 = arith.addi %mul3A_57, %add3A_61 : i32
      %get3A_63 = arith.index_cast %add3A_62 : i32 to index
      %get3A_64 = tpu.vector_load %arg7[%get3A_63] {strides = array<i32>} : memref<16384xf32, #tpu.memory_space<vmem>>, vector<16xf32>,
      %max3A = arith.constant -7.000000e+00 : f32
      %max3A_65 = vector.broadcast %max3A : f32 to vector<16xf32>
      %max3A_66 = arith.maximumf %get3A_60, %max3A_65 : vector<16xf32>
      %min3A = arith.constant 7.000000e+00 : f32
      %min3A_67 = vector.broadcast %min3A : f32 to vector<16xf32>
      %min3A_68 = arith.minimumf %max3A_66, %min3A_67 : vector<16xf32>
      %mul3A_69 = arith.constant 18.2142849 : f32
      %mul3A_70 = vector.broadcast %mul3A_69 : f32 to vector<16xf32>
      %mul3A_71 = arith.mulf %min3A_68, %mul3A_70 : vector<16xf32>
      %add3A_72 = arith.constant 1.280000e+02 : f32
      %add3A_73 = vector.broadcast %add3A_72 : f32 to vector<16xf32>
      %add3A_74 = arith.addf %mul3A_71, %add3A_73 : vector<16xf32>
      %convert_element_type3A = arith.fptosi %add3A_74 : vector<16xf32> to vector<16xi32>
      %gather3A = tpu.vector_load_idx %arg6[%convert_element_type3A] : memref<256xf32, #tpu.memory_space<vmem>>[vector<16xi32>], vector<16xf32>,
      %sub3A = arith.subf %get3A_64, %get3A_60 : vector<16xf32>
      %mul3A_75 = arith.mulf %sub3A, %sub3A : vector<16xf32>
      %mul3A_76 = arith.mulf %gather3A, %mul3A_75 : vector<16xf32>
      %add3A_77 = arith.addf %scan3A_48, %mul3A_76 : vector<16xf32>
      %add3A_78 = arith.constant 16 : i32
      %add3A_79 = arith.addi %mul3A_57, %add3A_78 : i32
      %get3A_80 = arith.index_cast %add3A_79 : i32 to index
      %get3A_81 = tpu.vector_load %arg9[%get3A_80] {strides = array<i32>} : memref<16384xf32, #tpu.memory_space<vmem>>, vector<16xf32>,
      %add3A_82 = arith.constant 16 : i32
      %add3A_83 = arith.addi %mul3A_57, %add3A_82 : i32
      %get3A_84 = arith.index_cast %add3A_83 : i32 to index
      %get3A_85 = tpu.vector_load %arg7[%get3A_84] {strides = array<i32>} : memref<16384xf32, #tpu.memory_space<vmem>>, vector<16xf32>,
      %max3A_86 = arith.constant -7.000000e+00 : f32
      %max3A_87 = vector.broadcast %max3A_86 : f32 to vector<16xf32>
      %max3A_88 = arith.maximumf %get3A_81, %max3A_87 : vector<16xf32>
      %min3A_89 = arith.constant 7.000000e+00 : f32
      %min3A_90 = vector.broadcast %min3A_89 : f32 to vector<16xf32>
      %min3A_91 = arith.minimumf %max3A_88, %min3A_90 : vector<16xf32>
      %mul3A_92 = arith.constant 18.2142849 : f32
      %mul3A_93 = vector.broadcast %mul3A_92 : f32 to vector<16xf32>
      %mul3A_94 = arith.mulf %min3A_91, %mul3A_93 : vector<16xf32>
      %add3A_95 = arith.constant 1.280000e+02 : f32
      %add3A_96 = vector.broadcast %add3A_95 : f32 to vector<16xf32>
      %add3A_97 = arith.addf %mul3A_94, %add3A_96 : vector<16xf32>
      %convert_element_type3A_98 = arith.fptosi %add3A_97 : vector<16xf32> to vector<16xi32>
      %gather3A_99 = tpu.vector_load_idx %arg6[%convert_element_type3A_98] : memref<256xf32, #tpu.memory_space<vmem>>[vector<16xi32>], vector<16xf32>,
      %sub3A_100 = arith.subf %get3A_85, %get3A_81 : vector<16xf32>
      %mul3A_101 = arith.mulf %sub3A_100, %sub3A_100 : vector<16xf32>
      %mul3A_102 = arith.mulf %gather3A_99, %mul3A_101 : vector<16xf32>
      %add3A_103 = arith.addf %scan3A_49, %mul3A_102 : vector<16xf32>
      %add3A_104 = arith.constant 32 : i32
      %add3A_105 = arith.addi %mul3A_57, %add3A_104 : i32
      %get3A_106 = arith.index_cast %add3A_105 : i32 to index
      %get3A_107 = tpu.vector_load %arg9[%get3A_106] {strides = array<i32>} : memref<16384xf32, #tpu.memory_space<vmem>>, vector<16xf32>,
      %add3A_108 = arith.constant 32 : i32
      %add3A_109 = arith.addi %mul3A_57, %add3A_108 : i32
      %get3A_110 = arith.index_cast %add3A_109 : i32 to index
      %get3A_111 = tpu.vector_load %arg7[%get3A_110] {strides = array<i32>} : memref<16384xf32, #tpu.memory_space<vmem>>, vector<16xf32>,
      %max3A_112 = arith.constant -7.000000e+00 : f32
      %max3A_113 = vector.broadcast %max3A_112 : f32 to vector<16xf32>
      %max3A_114 = arith.maximumf %get3A_107, %max3A_113 : vector<16xf32>
      %min3A_115 = arith.constant 7.000000e+00 : f32
      %min3A_116 = vector.broadcast %min3A_115 : f32 to vector<16xf32>
      %min3A_117 = arith.minimumf %max3A_114, %min3A_116 : vector<16xf32>
      %mul3A_118 = arith.constant 18.2142849 : f32
      %mul3A_119 = vector.broadcast %mul3A_118 : f32 to vector<16xf32>
      %mul3A_120 = arith.mulf %min3A_117, %mul3A_119 : vector<16xf32>
      %add3A_121 = arith.constant 1.280000e+02 : f32
      %add3A_122 = vector.broadcast %add3A_121 : f32 to vector<16xf32>
      %add3A_123 = arith.addf %mul3A_120, %add3A_122 : vector<16xf32>
      %convert_element_type3A_124 = arith.fptosi %add3A_123 : vector<16xf32> to vector<16xi32>
      %gather3A_125 = tpu.vector_load_idx %arg6[%convert_element_type3A_124] : memref<256xf32, #tpu.memory_space<vmem>>[vector<16xi32>], vector<16xf32>,
      %sub3A_126 = arith.subf %get3A_111, %get3A_107 : vector<16xf32>
      %mul3A_127 = arith.mulf %sub3A_126, %sub3A_126 : vector<16xf32>
      %mul3A_128 = arith.mulf %gather3A_125, %mul3A_127 : vector<16xf32>
      %add3A_129 = arith.addf %scan3A_50, %mul3A_128 : vector<16xf32>
      %add3A_130 = arith.constant 48 : i32
      %add3A_131 = arith.addi %mul3A_57, %add3A_130 : i32
      %get3A_132 = arith.index_cast %add3A_131 : i32 to index
      %get3A_133 = tpu.vector_load %arg9[%get3A_132] {strides = array<i32>} : memref<16384xf32, #tpu.memory_space<vmem>>, vector<16xf32>,
      %add3A_134 = arith.constant 48 : i32
      %add3A_135 = arith.addi %mul3A_57, %add3A_134 : i32
      %get3A_136 = arith.index_cast %add3A_135 : i32 to index
      %get3A_137 = tpu.vector_load %arg7[%get3A_136] {strides = array<i32>} : memref<16384xf32, #tpu.memory_space<vmem>>, vector<16xf32>,
      %max3A_138 = arith.constant -7.000000e+00 : f32
      %max3A_139 = vector.broadcast %max3A_138 : f32 to vector<16xf32>
      %max3A_140 = arith.maximumf %get3A_133, %max3A_139 : vector<16xf32>
      %min3A_141 = arith.constant 7.000000e+00 : f32
      %min3A_142 = vector.broadcast %min3A_141 : f32 to vector<16xf32>
      %min3A_143 = arith.minimumf %max3A_140, %min3A_142 : vector<16xf32>
      %mul3A_144 = arith.constant 18.2142849 : f32
      %mul3A_145 = vector.broadcast %mul3A_144 : f32 to vector<16xf32>
      %mul3A_146 = arith.mulf %min3A_143, %mul3A_145 : vector<16xf32>
      %add3A_147 = arith.constant 1.280000e+02 : f32
      %add3A_148 = vector.broadcast %add3A_147 : f32 to vector<16xf32>
      %add3A_149 = arith.addf %mul3A_146, %add3A_148 : vector<16xf32>
      %convert_element_type3A_150 = arith.fptosi %add3A_149 : vector<16xf32> to vector<16xi32>
      %gather3A_151 = tpu.vector_load_idx %arg6[%convert_element_type3A_150] : memref<256xf32, #tpu.memory_space<vmem>>[vector<16xi32>], vector<16xf32>,
      %sub3A_152 = arith.subf %get3A_137, %get3A_133 : vector<16xf32>
      %mul3A_153 = arith.mulf %sub3A_152, %sub3A_152 : vector<16xf32>
      %mul3A_154 = arith.mulf %gather3A_151, %mul3A_153 : vector<16xf32>
      %add3A_155 = arith.addf %scan3A_51, %mul3A_154 : vector<16xf32>
      %add3A_156 = arith.constant 64 : i32
      %add3A_157 = arith.addi %mul3A_57, %add3A_156 : i32
      %get3A_158 = arith.index_cast %add3A_157 : i32 to index
      %get3A_159 = tpu.vector_load %arg9[%get3A_158] {strides = array<i32>} : memref<16384xf32, #tpu.memory_space<vmem>>, vector<16xf32>,
      %add3A_160 = arith.constant 64 : i32
      %add3A_161 = arith.addi %mul3A_57, %add3A_160 : i32
      %get3A_162 = arith.index_cast %add3A_161 : i32 to index
      %get3A_163 = tpu.vector_load %arg7[%get3A_162] {strides = array<i32>} : memref<16384xf32, #tpu.memory_space<vmem>>, vector<16xf32>,
      %max3A_164 = arith.constant -7.000000e+00 : f32
      %max3A_165 = vector.broadcast %max3A_164 : f32 to vector<16xf32>
      %max3A_166 = arith.maximumf %get3A_159, %max3A_165 : vector<16xf32>
      %min3A_167 = arith.constant 7.000000e+00 : f32
      %min3A_168 = vector.broadcast %min3A_167 : f32 to vector<16xf32>
      %min3A_169 = arith.minimumf %max3A_166, %min3A_168 : vector<16xf32>
      %mul3A_170 = arith.constant 18.2142849 : f32
      %mul3A_171 = vector.broadcast %mul3A_170 : f32 to vector<16xf32>
      %mul3A_172 = arith.mulf %min3A_169, %mul3A_171 : vector<16xf32>
      %add3A_173 = arith.constant 1.280000e+02 : f32
      %add3A_174 = vector.broadcast %add3A_173 : f32 to vector<16xf32>
      %add3A_175 = arith.addf %mul3A_172, %add3A_174 : vector<16xf32>
      %convert_element_type3A_176 = arith.fptosi %add3A_175 : vector<16xf32> to vector<16xi32>
      %gather3A_177 = tpu.vector_load_idx %arg6[%convert_element_type3A_176] : memref<256xf32, #tpu.memory_space<vmem>>[vector<16xi32>], vector<16xf32>,
      %sub3A_178 = arith.subf %get3A_163, %get3A_159 : vector<16xf32>
      %mul3A_179 = arith.mulf %sub3A_178, %sub3A_178 : vector<16xf32>
      %mul3A_180 = arith.mulf %gather3A_177, %mul3A_179 : vector<16xf32>
      %add3A_181 = arith.addf %scan3A_52, %mul3A_180 : vector<16xf32>
      %add3A_182 = arith.constant 80 : i32
      %add3A_183 = arith.addi %mul3A_57, %add3A_182 : i32
      %get3A_184 = arith.index_cast %add3A_183 : i32 to index
      %get3A_185 = tpu.vector_load %arg9[%get3A_184] {strides = array<i32>} : memref<16384xf32, #tpu.memory_space<vmem>>, vector<16xf32>,
      %add3A_186 = arith.constant 80 : i32
      %add3A_187 = arith.addi %mul3A_57, %add3A_186 : i32
      %get3A_188 = arith.index_cast %add3A_187 : i32 to index
      %get3A_189 = tpu.vector_load %arg7[%get3A_188] {strides = array<i32>} : memref<16384xf32, #tpu.memory_space<vmem>>, vector<16xf32>,
      %max3A_190 = arith.constant -7.000000e+00 : f32
      %max3A_191 = vector.broadcast %max3A_190 : f32 to vector<16xf32>
      %max3A_192 = arith.maximumf %get3A_185, %max3A_191 : vector<16xf32>
      %min3A_193 = arith.constant 7.000000e+00 : f32
      %min3A_194 = vector.broadcast %min3A_193 : f32 to vector<16xf32>
      %min3A_195 = arith.minimumf %max3A_192, %min3A_194 : vector<16xf32>
      %mul3A_196 = arith.constant 18.2142849 : f32
      %mul3A_197 = vector.broadcast %mul3A_196 : f32 to vector<16xf32>
      %mul3A_198 = arith.mulf %min3A_195, %mul3A_197 : vector<16xf32>
      %add3A_199 = arith.constant 1.280000e+02 : f32
      %add3A_200 = vector.broadcast %add3A_199 : f32 to vector<16xf32>
      %add3A_201 = arith.addf %mul3A_198, %add3A_200 : vector<16xf32>
      %convert_element_type3A_202 = arith.fptosi %add3A_201 : vector<16xf32> to vector<16xi32>
      %gather3A_203 = tpu.vector_load_idx %arg6[%convert_element_type3A_202] : memref<256xf32, #tpu.memory_space<vmem>>[vector<16xi32>], vector<16xf32>,
      %sub3A_204 = arith.subf %get3A_189, %get3A_185 : vector<16xf32>
      %mul3A_205 = arith.mulf %sub3A_204, %sub3A_204 : vector<16xf32>
      %mul3A_206 = arith.mulf %gather3A_203, %mul3A_205 : vector<16xf32>
      %add3A_207 = arith.addf %scan3A_53, %mul3A_206 : vector<16xf32>
      %add3A_208 = arith.constant 96 : i32
      %add3A_209 = arith.addi %mul3A_57, %add3A_208 : i32
      %get3A_210 = arith.index_cast %add3A_209 : i32 to index
      %get3A_211 = tpu.vector_load %arg9[%get3A_210] {strides = array<i32>} : memref<16384xf32, #tpu.memory_space<vmem>>, vector<16xf32>,
      %add3A_212 = arith.constant 96 : i32
      %add3A_213 = arith.addi %mul3A_57, %add3A_212 : i32
      %get3A_214 = arith.index_cast %add3A_213 : i32 to index
      %get3A_215 = tpu.vector_load %arg7[%get3A_214] {strides = array<i32>} : memref<16384xf32, #tpu.memory_space<vmem>>, vector<16xf32>,
      %max3A_216 = arith.constant -7.000000e+00 : f32
      %max3A_217 = vector.broadcast %max3A_216 : f32 to vector<16xf32>
      %max3A_218 = arith.maximumf %get3A_211, %max3A_217 : vector<16xf32>
      %min3A_219 = arith.constant 7.000000e+00 : f32
      %min3A_220 = vector.broadcast %min3A_219 : f32 to vector<16xf32>
      %min3A_221 = arith.minimumf %max3A_218, %min3A_220 : vector<16xf32>
      %mul3A_222 = arith.constant 18.2142849 : f32
      %mul3A_223 = vector.broadcast %mul3A_222 : f32 to vector<16xf32>
      %mul3A_224 = arith.mulf %min3A_221, %mul3A_223 : vector<16xf32>
      %add3A_225 = arith.constant 1.280000e+02 : f32
      %add3A_226 = vector.broadcast %add3A_225 : f32 to vector<16xf32>
      %add3A_227 = arith.addf %mul3A_224, %add3A_226 : vector<16xf32>
      %convert_element_type3A_228 = arith.fptosi %add3A_227 : vector<16xf32> to vector<16xi32>
      %gather3A_229 = tpu.vector_load_idx %arg6[%convert_element_type3A_228] : memref<256xf32, #tpu.memory_space<vmem>>[vector<16xi32>], vector<16xf32>,
      %sub3A_230 = arith.subf %get3A_215, %get3A_211 : vector<16xf32>
      %mul3A_231 = arith.mulf %sub3A_230, %sub3A_230 : vector<16xf32>
      %mul3A_232 = arith.mulf %gather3A_229, %mul3A_231 : vector<16xf32>
      %add3A_233 = arith.addf %scan3A_54, %mul3A_232 : vector<16xf32>
      %add3A_234 = arith.constant 112 : i32
      %add3A_235 = arith.addi %mul3A_57, %add3A_234 : i32
      %get3A_236 = arith.index_cast %add3A_235 : i32 to index
      %get3A_237 = tpu.vector_load %arg9[%get3A_236] {strides = array<i32>} : memref<16384xf32, #tpu.memory_space<vmem>>, vector<16xf32>,
      %add3A_238 = arith.constant 112 : i32
      %add3A_239 = arith.addi %mul3A_57, %add3A_238 : i32
      %get3A_240 = arith.index_cast %add3A_239 : i32 to index
      %get3A_241 = tpu.vector_load %arg7[%get3A_240] {strides = array<i32>} : memref<16384xf32, #tpu.memory_space<vmem>>, vector<16xf32>,
      %max3A_242 = arith.constant -7.000000e+00 : f32
      %max3A_243 = vector.broadcast %max3A_242 : f32 to vector<16xf32>
      %max3A_244 = arith.maximumf %get3A_237, %max3A_243 : vector<16xf32>
      %min3A_245 = arith.constant 7.000000e+00 : f32
      %min3A_246 = vector.broadcast %min3A_245 : f32 to vector<16xf32>
      %min3A_247 = arith.minimumf %max3A_244, %min3A_246 : vector<16xf32>
      %mul3A_248 = arith.constant 18.2142849 : f32
      %mul3A_249 = vector.broadcast %mul3A_248 : f32 to vector<16xf32>
      %mul3A_250 = arith.mulf %min3A_247, %mul3A_249 : vector<16xf32>
      %add3A_251 = arith.constant 1.280000e+02 : f32
      %add3A_252 = vector.broadcast %add3A_251 : f32 to vector<16xf32>
      %add3A_253 = arith.addf %mul3A_250, %add3A_252 : vector<16xf32>
      %convert_element_type3A_254 = arith.fptosi %add3A_253 : vector<16xf32> to vector<16xi32>
      %gather3A_255 = tpu.vector_load_idx %arg6[%convert_element_type3A_254] : memref<256xf32, #tpu.memory_space<vmem>>[vector<16xi32>], vector<16xf32>,
      %sub3A_256 = arith.subf %get3A_241, %get3A_237 : vector<16xf32>
      %mul3A_257 = arith.mulf %sub3A_256, %sub3A_256 : vector<16xf32>
      %mul3A_258 = arith.mulf %gather3A_255, %mul3A_257 : vector<16xf32>
      %add3A_259 = arith.addf %scan3A_55, %mul3A_258 : vector<16xf32>
      scf.yield %add3A_77, %add3A_103, %add3A_129, %add3A_155, %add3A_181, %add3A_207, %add3A_233, %add3A_259 : vector<16xf32>, vector<16xf32>, vector<16xf32>, vector<16xf32>, vector<16xf32>, vector<16xf32>, vector<16xf32>, vector<16xf32>
    }
    %scan3A_28 = arith.constant 128 : i32
    %dma_wait3A_29 = tpu.memref_slice %arg2[%mul3A_2] : memref<16777216xf32, #tpu.memory_space<hbm>> -> memref<16384xf32, #tpu.memory_space<hbm>>
    %dma_wait3A_30 = tpu.memref_slice %arg2[%mul3A_2] : memref<16777216xf32, #tpu.memory_space<hbm>> -> memref<16384xf32, #tpu.memory_space<hbm>>
    tpu.wait_dma2 semaphore(%arg13 : memref<!tpu.dma_semaphore, #tpu.memory_space<semaphore_mem>>) src(%dma_wait3A_30 : memref<16384xf32, #tpu.memory_space<hbm>>) dst(%arg8 : memref<16384xf32, #tpu.memory_space<vmem>>)
    %dma_wait3A_31 = tpu.memref_slice %arg3[%mul3A_2] : memref<16777216xf32, #tpu.memory_space<hbm>> -> memref<16384xf32, #tpu.memory_space<hbm>>
    %dma_wait3A_32 = tpu.memref_slice %arg3[%mul3A_2] : memref<16777216xf32, #tpu.memory_space<hbm>> -> memref<16384xf32, #tpu.memory_space<hbm>>
    tpu.wait_dma2 semaphore(%arg15 : memref<!tpu.dma_semaphore, #tpu.memory_space<semaphore_mem>>) src(%dma_wait3A_32 : memref<16384xf32, #tpu.memory_space<hbm>>) dst(%arg10 : memref<16384xf32, #tpu.memory_space<vmem>>)
    %scan3A_33 = arith.constant 0 : i32
    %scan3A_34 = arith.constant 128 : i32
    %scan3A_35 = arith.addi %scan3A_33, %scan3A_34 : i32
    %scan3A_36 = arith.constant 1 : i32
    %scan3A_37:8 = scf.for %scan3A_47 = %scan3A_33 to %scan3A_35 step %scan3A_36 iter_args(%scan3A_48 = %scan3A_27#0, %scan3A_49 = %scan3A_27#1, %scan3A_50 = %scan3A_27#2, %scan3A_51 = %scan3A_27#3, %scan3A_52 = %scan3A_27#4, %scan3A_53 = %scan3A_27#5, %scan3A_54 = %scan3A_27#6, %scan3A_55 = %scan3A_27#7) -> (vector<16xf32>, vector<16xf32>, vector<16xf32>, vector<16xf32>, vector<16xf32>, vector<16xf32>, vector<16xf32>, vector<16xf32>)  : i32 {
      %mul3A_56 = arith.constant 128 : i32
      %mul3A_57 = arith.muli %scan3A_47, %mul3A_56 : i32
      %add3A_58 = arith.constant 0 : i32
      %add3A_59 = arith.addi %mul3A_57, %add3A_58 : i32
      %get3A = arith.index_cast %add3A_59 : i32 to index
      %get3A_60 = tpu.vector_load %arg10[%get3A] {strides = array<i32>} : memref<16384xf32, #tpu.memory_space<vmem>>, vector<16xf32>,
      %add3A_61 = arith.constant 0 : i32
      %add3A_62 = arith.addi %mul3A_57, %add3A_61 : i32
      %get3A_63 = arith.index_cast %add3A_62 : i32 to index
      %get3A_64 = tpu.vector_load %arg8[%get3A_63] {strides = array<i32>} : memref<16384xf32, #tpu.memory_space<vmem>>, vector<16xf32>,
      %max3A = arith.constant -7.000000e+00 : f32
      %max3A_65 = vector.broadcast %max3A : f32 to vector<16xf32>
      %max3A_66 = arith.maximumf %get3A_60, %max3A_65 : vector<16xf32>
      %min3A = arith.constant 7.000000e+00 : f32
      %min3A_67 = vector.broadcast %min3A : f32 to vector<16xf32>
      %min3A_68 = arith.minimumf %max3A_66, %min3A_67 : vector<16xf32>
      %mul3A_69 = arith.constant 18.2142849 : f32
      %mul3A_70 = vector.broadcast %mul3A_69 : f32 to vector<16xf32>
      %mul3A_71 = arith.mulf %min3A_68, %mul3A_70 : vector<16xf32>
      %add3A_72 = arith.constant 1.280000e+02 : f32
      %add3A_73 = vector.broadcast %add3A_72 : f32 to vector<16xf32>
      %add3A_74 = arith.addf %mul3A_71, %add3A_73 : vector<16xf32>
      %convert_element_type3A = arith.fptosi %add3A_74 : vector<16xf32> to vector<16xi32>
      %gather3A = tpu.vector_load_idx %arg6[%convert_element_type3A] : memref<256xf32, #tpu.memory_space<vmem>>[vector<16xi32>], vector<16xf32>,
      %sub3A = arith.subf %get3A_64, %get3A_60 : vector<16xf32>
      %mul3A_75 = arith.mulf %sub3A, %sub3A : vector<16xf32>
      %mul3A_76 = arith.mulf %gather3A, %mul3A_75 : vector<16xf32>
      %add3A_77 = arith.addf %scan3A_48, %mul3A_76 : vector<16xf32>
      %add3A_78 = arith.constant 16 : i32
      %add3A_79 = arith.addi %mul3A_57, %add3A_78 : i32
      %get3A_80 = arith.index_cast %add3A_79 : i32 to index
      %get3A_81 = tpu.vector_load %arg10[%get3A_80] {strides = array<i32>} : memref<16384xf32, #tpu.memory_space<vmem>>, vector<16xf32>,
      %add3A_82 = arith.constant 16 : i32
      %add3A_83 = arith.addi %mul3A_57, %add3A_82 : i32
      %get3A_84 = arith.index_cast %add3A_83 : i32 to index
      %get3A_85 = tpu.vector_load %arg8[%get3A_84] {strides = array<i32>} : memref<16384xf32, #tpu.memory_space<vmem>>, vector<16xf32>,
      %max3A_86 = arith.constant -7.000000e+00 : f32
      %max3A_87 = vector.broadcast %max3A_86 : f32 to vector<16xf32>
      %max3A_88 = arith.maximumf %get3A_81, %max3A_87 : vector<16xf32>
      %min3A_89 = arith.constant 7.000000e+00 : f32
      %min3A_90 = vector.broadcast %min3A_89 : f32 to vector<16xf32>
      %min3A_91 = arith.minimumf %max3A_88, %min3A_90 : vector<16xf32>
      %mul3A_92 = arith.constant 18.2142849 : f32
      %mul3A_93 = vector.broadcast %mul3A_92 : f32 to vector<16xf32>
      %mul3A_94 = arith.mulf %min3A_91, %mul3A_93 : vector<16xf32>
      %add3A_95 = arith.constant 1.280000e+02 : f32
      %add3A_96 = vector.broadcast %add3A_95 : f32 to vector<16xf32>
      %add3A_97 = arith.addf %mul3A_94, %add3A_96 : vector<16xf32>
      %convert_element_type3A_98 = arith.fptosi %add3A_97 : vector<16xf32> to vector<16xi32>
      %gather3A_99 = tpu.vector_load_idx %arg6[%convert_element_type3A_98] : memref<256xf32, #tpu.memory_space<vmem>>[vector<16xi32>], vector<16xf32>,
      %sub3A_100 = arith.subf %get3A_85, %get3A_81 : vector<16xf32>
      %mul3A_101 = arith.mulf %sub3A_100, %sub3A_100 : vector<16xf32>
      %mul3A_102 = arith.mulf %gather3A_99, %mul3A_101 : vector<16xf32>
      %add3A_103 = arith.addf %scan3A_49, %mul3A_102 : vector<16xf32>
      %add3A_104 = arith.constant 32 : i32
      %add3A_105 = arith.addi %mul3A_57, %add3A_104 : i32
      %get3A_106 = arith.index_cast %add3A_105 : i32 to index
      %get3A_107 = tpu.vector_load %arg10[%get3A_106] {strides = array<i32>} : memref<16384xf32, #tpu.memory_space<vmem>>, vector<16xf32>,
      %add3A_108 = arith.constant 32 : i32
      %add3A_109 = arith.addi %mul3A_57, %add3A_108 : i32
      %get3A_110 = arith.index_cast %add3A_109 : i32 to index
      %get3A_111 = tpu.vector_load %arg8[%get3A_110] {strides = array<i32>} : memref<16384xf32, #tpu.memory_space<vmem>>, vector<16xf32>,
      %max3A_112 = arith.constant -7.000000e+00 : f32
      %max3A_113 = vector.broadcast %max3A_112 : f32 to vector<16xf32>
      %max3A_114 = arith.maximumf %get3A_107, %max3A_113 : vector<16xf32>
      %min3A_115 = arith.constant 7.000000e+00 : f32
      %min3A_116 = vector.broadcast %min3A_115 : f32 to vector<16xf32>
      %min3A_117 = arith.minimumf %max3A_114, %min3A_116 : vector<16xf32>
      %mul3A_118 = arith.constant 18.2142849 : f32
      %mul3A_119 = vector.broadcast %mul3A_118 : f32 to vector<16xf32>
      %mul3A_120 = arith.mulf %min3A_117, %mul3A_119 : vector<16xf32>
      %add3A_121 = arith.constant 1.280000e+02 : f32
      %add3A_122 = vector.broadcast %add3A_121 : f32 to vector<16xf32>
      %add3A_123 = arith.addf %mul3A_120, %add3A_122 : vector<16xf32>
      %convert_element_type3A_124 = arith.fptosi %add3A_123 : vector<16xf32> to vector<16xi32>
      %gather3A_125 = tpu.vector_load_idx %arg6[%convert_element_type3A_124] : memref<256xf32, #tpu.memory_space<vmem>>[vector<16xi32>], vector<16xf32>,
      %sub3A_126 = arith.subf %get3A_111, %get3A_107 : vector<16xf32>
      %mul3A_127 = arith.mulf %sub3A_126, %sub3A_126 : vector<16xf32>
      %mul3A_128 = arith.mulf %gather3A_125, %mul3A_127 : vector<16xf32>
      %add3A_129 = arith.addf %scan3A_50, %mul3A_128 : vector<16xf32>
      %add3A_130 = arith.constant 48 : i32
      %add3A_131 = arith.addi %mul3A_57, %add3A_130 : i32
      %get3A_132 = arith.index_cast %add3A_131 : i32 to index
      %get3A_133 = tpu.vector_load %arg10[%get3A_132] {strides = array<i32>} : memref<16384xf32, #tpu.memory_space<vmem>>, vector<16xf32>,
      %add3A_134 = arith.constant 48 : i32
      %add3A_135 = arith.addi %mul3A_57, %add3A_134 : i32
      %get3A_136 = arith.index_cast %add3A_135 : i32 to index
      %get3A_137 = tpu.vector_load %arg8[%get3A_136] {strides = array<i32>} : memref<16384xf32, #tpu.memory_space<vmem>>, vector<16xf32>,
      %max3A_138 = arith.constant -7.000000e+00 : f32
      %max3A_139 = vector.broadcast %max3A_138 : f32 to vector<16xf32>
      %max3A_140 = arith.maximumf %get3A_133, %max3A_139 : vector<16xf32>
      %min3A_141 = arith.constant 7.000000e+00 : f32
      %min3A_142 = vector.broadcast %min3A_141 : f32 to vector<16xf32>
      %min3A_143 = arith.minimumf %max3A_140, %min3A_142 : vector<16xf32>
      %mul3A_144 = arith.constant 18.2142849 : f32
      %mul3A_145 = vector.broadcast %mul3A_144 : f32 to vector<16xf32>
      %mul3A_146 = arith.mulf %min3A_143, %mul3A_145 : vector<16xf32>
      %add3A_147 = arith.constant 1.280000e+02 : f32
      %add3A_148 = vector.broadcast %add3A_147 : f32 to vector<16xf32>
      %add3A_149 = arith.addf %mul3A_146, %add3A_148 : vector<16xf32>
      %convert_element_type3A_150 = arith.fptosi %add3A_149 : vector<16xf32> to vector<16xi32>
      %gather3A_151 = tpu.vector_load_idx %arg6[%convert_element_type3A_150] : memref<256xf32, #tpu.memory_space<vmem>>[vector<16xi32>], vector<16xf32>,
      %sub3A_152 = arith.subf %get3A_137, %get3A_133 : vector<16xf32>
      %mul3A_153 = arith.mulf %sub3A_152, %sub3A_152 : vector<16xf32>
      %mul3A_154 = arith.mulf %gather3A_151, %mul3A_153 : vector<16xf32>
      %add3A_155 = arith.addf %scan3A_51, %mul3A_154 : vector<16xf32>
      %add3A_156 = arith.constant 64 : i32
      %add3A_157 = arith.addi %mul3A_57, %add3A_156 : i32
      %get3A_158 = arith.index_cast %add3A_157 : i32 to index
      %get3A_159 = tpu.vector_load %arg10[%get3A_158] {strides = array<i32>} : memref<16384xf32, #tpu.memory_space<vmem>>, vector<16xf32>,
      %add3A_160 = arith.constant 64 : i32
      %add3A_161 = arith.addi %mul3A_57, %add3A_160 : i32
      %get3A_162 = arith.index_cast %add3A_161 : i32 to index
      %get3A_163 = tpu.vector_load %arg8[%get3A_162] {strides = array<i32>} : memref<16384xf32, #tpu.memory_space<vmem>>, vector<16xf32>,
      %max3A_164 = arith.constant -7.000000e+00 : f32
      %max3A_165 = vector.broadcast %max3A_164 : f32 to vector<16xf32>
      %max3A_166 = arith.maximumf %get3A_159, %max3A_165 : vector<16xf32>
      %min3A_167 = arith.constant 7.000000e+00 : f32
      %min3A_168 = vector.broadcast %min3A_167 : f32 to vector<16xf32>
      %min3A_169 = arith.minimumf %max3A_166, %min3A_168 : vector<16xf32>
      %mul3A_170 = arith.constant 18.2142849 : f32
      %mul3A_171 = vector.broadcast %mul3A_170 : f32 to vector<16xf32>
      %mul3A_172 = arith.mulf %min3A_169, %mul3A_171 : vector<16xf32>
      %add3A_173 = arith.constant 1.280000e+02 : f32
      %add3A_174 = vector.broadcast %add3A_173 : f32 to vector<16xf32>
      %add3A_175 = arith.addf %mul3A_172, %add3A_174 : vector<16xf32>
      %convert_element_type3A_176 = arith.fptosi %add3A_175 : vector<16xf32> to vector<16xi32>
      %gather3A_177 = tpu.vector_load_idx %arg6[%convert_element_type3A_176] : memref<256xf32, #tpu.memory_space<vmem>>[vector<16xi32>], vector<16xf32>,
      %sub3A_178 = arith.subf %get3A_163, %get3A_159 : vector<16xf32>
      %mul3A_179 = arith.mulf %sub3A_178, %sub3A_178 : vector<16xf32>
      %mul3A_180 = arith.mulf %gather3A_177, %mul3A_179 : vector<16xf32>
      %add3A_181 = arith.addf %scan3A_52, %mul3A_180 : vector<16xf32>
      %add3A_182 = arith.constant 80 : i32
      %add3A_183 = arith.addi %mul3A_57, %add3A_182 : i32
      %get3A_184 = arith.index_cast %add3A_183 : i32 to index
      %get3A_185 = tpu.vector_load %arg10[%get3A_184] {strides = array<i32>} : memref<16384xf32, #tpu.memory_space<vmem>>, vector<16xf32>,
      %add3A_186 = arith.constant 80 : i32
      %add3A_187 = arith.addi %mul3A_57, %add3A_186 : i32
      %get3A_188 = arith.index_cast %add3A_187 : i32 to index
      %get3A_189 = tpu.vector_load %arg8[%get3A_188] {strides = array<i32>} : memref<16384xf32, #tpu.memory_space<vmem>>, vector<16xf32>,
      %max3A_190 = arith.constant -7.000000e+00 : f32
      %max3A_191 = vector.broadcast %max3A_190 : f32 to vector<16xf32>
      %max3A_192 = arith.maximumf %get3A_185, %max3A_191 : vector<16xf32>
      %min3A_193 = arith.constant 7.000000e+00 : f32
      %min3A_194 = vector.broadcast %min3A_193 : f32 to vector<16xf32>
      %min3A_195 = arith.minimumf %max3A_192, %min3A_194 : vector<16xf32>
      %mul3A_196 = arith.constant 18.2142849 : f32
      %mul3A_197 = vector.broadcast %mul3A_196 : f32 to vector<16xf32>
      %mul3A_198 = arith.mulf %min3A_195, %mul3A_197 : vector<16xf32>
      %add3A_199 = arith.constant 1.280000e+02 : f32
      %add3A_200 = vector.broadcast %add3A_199 : f32 to vector<16xf32>
      %add3A_201 = arith.addf %mul3A_198, %add3A_200 : vector<16xf32>
      %convert_element_type3A_202 = arith.fptosi %add3A_201 : vector<16xf32> to vector<16xi32>
      %gather3A_203 = tpu.vector_load_idx %arg6[%convert_element_type3A_202] : memref<256xf32, #tpu.memory_space<vmem>>[vector<16xi32>], vector<16xf32>,
      %sub3A_204 = arith.subf %get3A_189, %get3A_185 : vector<16xf32>
      %mul3A_205 = arith.mulf %sub3A_204, %sub3A_204 : vector<16xf32>
      %mul3A_206 = arith.mulf %gather3A_203, %mul3A_205 : vector<16xf32>
      %add3A_207 = arith.addf %scan3A_53, %mul3A_206 : vector<16xf32>
      %add3A_208 = arith.constant 96 : i32
      %add3A_209 = arith.addi %mul3A_57, %add3A_208 : i32
      %get3A_210 = arith.index_cast %add3A_209 : i32 to index
      %get3A_211 = tpu.vector_load %arg10[%get3A_210] {strides = array<i32>} : memref<16384xf32, #tpu.memory_space<vmem>>, vector<16xf32>,
      %add3A_212 = arith.constant 96 : i32
      %add3A_213 = arith.addi %mul3A_57, %add3A_212 : i32
      %get3A_214 = arith.index_cast %add3A_213 : i32 to index
      %get3A_215 = tpu.vector_load %arg8[%get3A_214] {strides = array<i32>} : memref<16384xf32, #tpu.memory_space<vmem>>, vector<16xf32>,
      %max3A_216 = arith.constant -7.000000e+00 : f32
      %max3A_217 = vector.broadcast %max3A_216 : f32 to vector<16xf32>
      %max3A_218 = arith.maximumf %get3A_211, %max3A_217 : vector<16xf32>
      %min3A_219 = arith.constant 7.000000e+00 : f32
      %min3A_220 = vector.broadcast %min3A_219 : f32 to vector<16xf32>
      %min3A_221 = arith.minimumf %max3A_218, %min3A_220 : vector<16xf32>
      %mul3A_222 = arith.constant 18.2142849 : f32
      %mul3A_223 = vector.broadcast %mul3A_222 : f32 to vector<16xf32>
      %mul3A_224 = arith.mulf %min3A_221, %mul3A_223 : vector<16xf32>
      %add3A_225 = arith.constant 1.280000e+02 : f32
      %add3A_226 = vector.broadcast %add3A_225 : f32 to vector<16xf32>
      %add3A_227 = arith.addf %mul3A_224, %add3A_226 : vector<16xf32>
      %convert_element_type3A_228 = arith.fptosi %add3A_227 : vector<16xf32> to vector<16xi32>
      %gather3A_229 = tpu.vector_load_idx %arg6[%convert_element_type3A_228] : memref<256xf32, #tpu.memory_space<vmem>>[vector<16xi32>], vector<16xf32>,
      %sub3A_230 = arith.subf %get3A_215, %get3A_211 : vector<16xf32>
      %mul3A_231 = arith.mulf %sub3A_230, %sub3A_230 : vector<16xf32>
      %mul3A_232 = arith.mulf %gather3A_229, %mul3A_231 : vector<16xf32>
      %add3A_233 = arith.addf %scan3A_54, %mul3A_232 : vector<16xf32>
      %add3A_234 = arith.constant 112 : i32
      %add3A_235 = arith.addi %mul3A_57, %add3A_234 : i32
      %get3A_236 = arith.index_cast %add3A_235 : i32 to index
      %get3A_237 = tpu.vector_load %arg10[%get3A_236] {strides = array<i32>} : memref<16384xf32, #tpu.memory_space<vmem>>, vector<16xf32>,
      %add3A_238 = arith.constant 112 : i32
      %add3A_239 = arith.addi %mul3A_57, %add3A_238 : i32
      %get3A_240 = arith.index_cast %add3A_239 : i32 to index
      %get3A_241 = tpu.vector_load %arg8[%get3A_240] {strides = array<i32>} : memref<16384xf32, #tpu.memory_space<vmem>>, vector<16xf32>,
      %max3A_242 = arith.constant -7.000000e+00 : f32
      %max3A_243 = vector.broadcast %max3A_242 : f32 to vector<16xf32>
      %max3A_244 = arith.maximumf %get3A_237, %max3A_243 : vector<16xf32>
      %min3A_245 = arith.constant 7.000000e+00 : f32
      %min3A_246 = vector.broadcast %min3A_245 : f32 to vector<16xf32>
      %min3A_247 = arith.minimumf %max3A_244, %min3A_246 : vector<16xf32>
      %mul3A_248 = arith.constant 18.2142849 : f32
      %mul3A_249 = vector.broadcast %mul3A_248 : f32 to vector<16xf32>
      %mul3A_250 = arith.mulf %min3A_247, %mul3A_249 : vector<16xf32>
      %add3A_251 = arith.constant 1.280000e+02 : f32
      %add3A_252 = vector.broadcast %add3A_251 : f32 to vector<16xf32>
      %add3A_253 = arith.addf %mul3A_250, %add3A_252 : vector<16xf32>
      %convert_element_type3A_254 = arith.fptosi %add3A_253 : vector<16xf32> to vector<16xi32>
      %gather3A_255 = tpu.vector_load_idx %arg6[%convert_element_type3A_254] : memref<256xf32, #tpu.memory_space<vmem>>[vector<16xi32>], vector<16xf32>,
      %sub3A_256 = arith.subf %get3A_241, %get3A_237 : vector<16xf32>
      %mul3A_257 = arith.mulf %sub3A_256, %sub3A_256 : vector<16xf32>
      %mul3A_258 = arith.mulf %gather3A_255, %mul3A_257 : vector<16xf32>
      %add3A_259 = arith.addf %scan3A_55, %mul3A_258 : vector<16xf32>
      scf.yield %add3A_77, %add3A_103, %add3A_129, %add3A_155, %add3A_181, %add3A_207, %add3A_233, %add3A_259 : vector<16xf32>, vector<16xf32>, vector<16xf32>, vector<16xf32>, vector<16xf32>, vector<16xf32>, vector<16xf32>, vector<16xf32>
    }
    %scan3A_38 = arith.constant 128 : i32
    %add3A_39 = arith.addf %scan3A_37#0, %scan3A_37#1 : vector<16xf32>
    %add3A_40 = arith.addf %add3A_39, %scan3A_37#2 : vector<16xf32>
    %add3A_41 = arith.addf %add3A_40, %scan3A_37#3 : vector<16xf32>
    %add3A_42 = arith.addf %scan3A_37#4, %scan3A_37#5 : vector<16xf32>
    %add3A_43 = arith.addf %add3A_42, %scan3A_37#6 : vector<16xf32>
    %add3A_44 = arith.addf %add3A_43, %scan3A_37#7 : vector<16xf32>
    %add3A_45 = arith.addf %add3A_41, %add3A_44 : vector<16xf32>
    %swap3A = arith.constant 0 : index
    %swap3A_46 = tpu.vector_load %arg11[%swap3A] {strides = array<i32>} : memref<16xf32, #tpu.memory_space<vmem>>, vector<16xf32>,
    tpu.vector_store %arg11[%swap3A], %add3A_45 {strides = array<i32>} : memref<16xf32, #tpu.memory_space<vmem>>, vector<16xf32>,
    "tpu.region"() ({
      %run_scoped3A = tpu.sem_alloc : memref<!tpu.dma_semaphore, #tpu.memory_space<semaphore_mem>>
      %dma_start3A_47 = arith.constant 0 : i32
      %dma_start3A_48 = tpu.memref_slice %arg5[%add3A, %dma_start3A_47] : memref<32x16xf32, #tpu.memory_space<hbm>> -> memref<1x16xf32, #tpu.memory_space<hbm>>
      %dma_start3A_49 = tpu.memref_squeeze %dma_start3A_48 : memref<1x16xf32, #tpu.memory_space<hbm>> -> memref<16xf32, #tpu.memory_space<hbm>>
      %dma_start3A_50 = arith.constant 0 : i32
      %dma_start3A_51 = tpu.memref_slice %arg5[%add3A, %dma_start3A_50] : memref<32x16xf32, #tpu.memory_space<hbm>> -> memref<1x16xf32, #tpu.memory_space<hbm>>
      %dma_start3A_52 = tpu.memref_squeeze %dma_start3A_51 : memref<1x16xf32, #tpu.memory_space<hbm>> -> memref<16xf32, #tpu.memory_space<hbm>>
      tpu.enqueue_dma source(%arg11 : memref<16xf32, #tpu.memory_space<vmem>>) target(%dma_start3A_52 : memref<16xf32, #tpu.memory_space<hbm>>) target_semaphore(%run_scoped3A : memref<!tpu.dma_semaphore, #tpu.memory_space<semaphore_mem>>)
      %dma_wait3A_53 = arith.constant 0 : i32
      %dma_wait3A_54 = tpu.memref_slice %arg5[%add3A, %dma_wait3A_53] : memref<32x16xf32, #tpu.memory_space<hbm>> -> memref<1x16xf32, #tpu.memory_space<hbm>>
      %dma_wait3A_55 = tpu.memref_squeeze %dma_wait3A_54 : memref<1x16xf32, #tpu.memory_space<hbm>> -> memref<16xf32, #tpu.memory_space<hbm>>
      %dma_wait3A_56 = arith.constant 0 : i32
      %dma_wait3A_57 = tpu.memref_slice %arg5[%add3A, %dma_wait3A_56] : memref<32x16xf32, #tpu.memory_space<hbm>> -> memref<1x16xf32, #tpu.memory_space<hbm>>
      %dma_wait3A_58 = tpu.memref_squeeze %dma_wait3A_57 : memref<1x16xf32, #tpu.memory_space<hbm>> -> memref<16xf32, #tpu.memory_space<hbm>>
      tpu.wait_dma2 semaphore(%run_scoped3A : memref<!tpu.dma_semaphore, #tpu.memory_space<semaphore_mem>>) src(%arg11 : memref<16xf32, #tpu.memory_space<vmem>>) dst(%dma_wait3A_58 : memref<16xf32, #tpu.memory_space<hbm>>)
      tpu.yield
    }) : () -> ()
    return
  }
}

</mosaic_0001>

<sc_bundles>
// kernel: _sc_partials.3.cloned.1.call-start
scs
__scs_entry_jumppad:
0x0: {  	(pc) =	sbr.rel $0x88, $3  }
0x1: {  	(tag) =	ssettag $0x0;
	lr =	simm.s32 $0x1  }
0x2: {  	[smem:$0x3F9E] =	sst lr;
	_ =	strace $0xD0000000  }
0x3: {  	_ = 	snop  }
0x4: {  	_ = 	snop  }
0x5: {  	_ = 	snop  }
0x6: {  	_ = 	snop  }
0x7: {  	_ = 	snop  }
__scs_overlays_trampoline_lowered:
0x8: {  	[smem:$0x3FAD] =	sst s0  }
0x9: {  	[smem:$0x3FAE] =	sst s1  }
0xa: {  	[smem:$0x3FAF] =	sst s2  }
0xb: {  	[smem:$0x3FB0] =	sst s3  }
0xc: {  	[smem:$0x3FB1] =	sst s4  }
0xd: {  	[smem:$0x3FB2] =	sst s5  }
0xe: {  	[smem:$0x3FB3] =	sst s6  }
0xf: {  	[smem:$0x3FB4] =	sst s7  }
0x10: {  	[smem:$0x3FB5] =	sst s8  }
0x11: {  	[smem:$0x3FB6] =	sst s9;
	s0 =	simm.s32 @!p0 $0x0  }
0x12: {  	s1 =	sld [smem:$0x3F9C];
	s0 =	simm.s32 @p0 $0x1  }
0x13: {  	[smem:$0x3FB7] =	sst s0;
	s0 =	simm.s32 @!p1 $0x0  }
0x14: {  	s2 =	sld [smem:$0x3F9B];
	s0 =	simm.s32 @p1 $0x1  }
0x15: {  	[smem:$0x3FB8] =	sst s0;
	s0 =	simm.s32 @!p2 $0x0  }
0x16: {  	s3 =	sld [smem:$0x3FDB];
	s0 =	simm.s32 @p2 $0x1  }
0x17: {  	s4 =	simm.s32 $0x1BF5;
	[smem:$0x3FBA] =	sst s0  }
0x18: {  	s0 =	sld [smem:$0x3F9D];
	_ =	swait.ge [sflag:s4], $0x0  }
0x19: {  	s7 =	sld [smem:$0x3F9E]  }
0x1a: {  	s8 =	sadd.s32 $0xFFFFE003, lr  }
0x1b: {  	s9 =	sadd.s32 $0xFFFFFEF7, lr;
	s5 =	simm.s32 $0xFFFFFFFF;
	p2 =	slt.u32 s8, $0xFFFFF086  }
0x1c: {  	p1 =	slt.u32 s9, $0xF7A;
	s5 =	simm.s32 @!p2 $0x0  }
0x1d: {  	s5 =	simm.s32 @p1 $0x1;
	p0 =	seq.s32 s7, s2  }
0x1e: {  	s7 =	smul.u32 @!p0 $0xF7A, s2;
	p2 =	seq.s32 @!p0 s5, $0x0  }
0x1f: {  	s9 =	smul.u32 $0xF7A, s1;
	s8 =	simm.s32 @!p0 $0x1BF5;
	p2 =	por !p2, p0  }
0x20: {  	[sflag:s8] =	ssyncset.s32 @!p0 $0xFFFFF086;
	s6 =	sadd.s32 @!p0 s3, s7;
	s7 =	simm.s32 @!p0 $0x108  }
0x21: {  	s3 =	sadd.s32 s3, s9;
	s6 =	sadd.s32 @!p0 $0x88, s6;
	s7 =	simm.s32 @p2 $0x1082  }
0x22: {  	[simem:s7], [sflag:s8] =	dma.local @!p0 [hbm:s6], $0xF7A  }
0x23: {  	s9 =	sor.u32 $0xD0000000, s2;
	s6 =	simm.s32 $0x108;
	_ =	swait.ge @!p0 [sflag:s8], $0x0  }
0x24: {  	s3 =	sadd.s32 $0x88, s3;
	s6 =	simm.s32 @!p1 $0x1082;
	[sflag:s4] =	ssyncset.s32 $0xFFFFF086  }
0x25: {  	[simem:s6], [sflag:s4] =	dma.local [hbm:s3], $0xF7A  }
0x26: {  	[smem:$0x3F9E] =	sst s1;
	(tag) =	ssettag s2;
	_ =	strace s9  }
0x27: {  	s1 =	sld [smem:$0x3FAE]  }
0x28: {  	s2 =	sld [smem:$0x3FAF]  }
0x29: {  	s4 =	sld [smem:$0x3FB1]  }
0x2a: {  	p0 =	seq.s32 s5, $0x0;
	s5 =	sld [smem:$0x3FB2]  }
0x2b: {  	s6 =	sld [smem:$0x3FB3]  }
0x2c: {  	s7 =	sld [smem:$0x3FB4]  }
0x2d: {  	s3 =	simm.s32 $0x108;
	s8 =	sld [smem:$0x3FB5]  }
0x2e: {  	s3 =	simm.s32 @!p0 $0x1082;
	s9 =	sld [smem:$0x3FB6]  }
0x2f: {  	lr =	sadd.s32 s0, s3;
	s0 =	sld [smem:$0x3FAD]  }
0x30: {  	s3 =	sld [smem:$0x3FB0]  }
0x31: {  	[smem:$0x3FB9] =	sst s10  }
0x32: {  	s10 =	sld [smem:$0x3FB7];
	_ =	sdelay $0x3  }
0x33: {  	p0 =	seq.s32 s10, $0x1;
	s10 =	sld [smem:$0x3FB9];
	_ =	sdelay $0x3  }
0x34: {  	[smem:$0x3FB9] =	sst s10  }
0x35: {  	s10 =	sld [smem:$0x3FB8];
	_ =	sdelay $0x3  }
0x36: {  	p1 =	seq.s32 s10, $0x1;
	s10 =	sld [smem:$0x3FB9];
	_ =	sdelay $0x3  }
0x37: {  	[smem:$0x3FB9] =	sst s10  }
0x38: {  	s10 =	sld [smem:$0x3FBA]  }
0x39: {  	_ = 	snop;
	(pc) =	sbr.ind lr, $3  }
0x3a: {  	_ = 	snop  }
0x3b: {  	_ = 	snop  }
0x3c: {  	p2 =	seq.s32 s10, $0x1;
	s10 =	sld [smem:$0x3FB9]  }
0x3d: {  	_ =	shalt  }
0x3e: {  	_ =	shalt  }
0x3f: {  	_ =	shalt  }
0x40: {  	_ =	shalt  }
0x41: {  	_ =	shalt  }
0x42: {  	_ =	shalt  }
0x43: {  	_ =	shalt  }
0x44: {  	_ =	shalt  }
0x45: {  	_ =	shalt  }
0x46: {  	_ =	shalt  }
0x47: {  	_ =	shalt  }
0x48: {  	_ =	shalt  }
0x49: {  	_ =	shalt  }
0x4a: {  	_ =	shalt  }
0x4b: {  	_ =	shalt  }
0x4c: {  	_ =	shalt  }
0x4d: {  	_ =	shalt  }
0x4e: {  	_ =	shalt  }
0x4f: {  	_ =	shalt  }
0x50: {  	_ =	shalt  }
0x51: {  	_ =	shalt  }
0x52: {  	_ =	shalt  }
0x53: {  	_ =	shalt  }
0x54: {  	_ =	shalt  }
0x55: {  	_ =	shalt  }
0x56: {  	_ =	shalt  }
0x57: {  	_ =	shalt  }
0x58: {  	_ =	shalt  }
0x59: {  	_ =	shalt  }
0x5a: {  	_ =	shalt  }
0x5b: {  	_ =	shalt  }
0x5c: {  	_ =	shalt  }
0x5d: {  	_ =	shalt  }
0x5e: {  	_ =	shalt  }
0x5f: {  	_ =	shalt  }
0x60: {  	_ =	shalt  }
0x61: {  	_ =	shalt  }
0x62: {  	_ =	shalt  }
0x63: {  	_ =	shalt  }
0x64: {  	_ =	shalt  }
0x65: {  	_ =	shalt  }
0x66: {  	_ =	shalt  }
0x67: {  	_ =	shalt  }
0x68: {  	_ =	shalt  }
0x69: {  	_ =	shalt  }
0x6a: {  	_ =	shalt  }
0x6b: {  	_ =	shalt  }
0x6c: {  	_ =	shalt  }
0x6d: {  	_ =	shalt  }
0x6e: {  	_ =	shalt  }
0x6f: {  	_ =	shalt  }
0x70: {  	_ =	shalt  }
0x71: {  	_ =	shalt  }
0x72: {  	_ =	shalt  }
0x73: {  	_ =	shalt  }
0x74: {  	_ =	shalt  }
0x75: {  	_ =	shalt  }
0x76: {  	_ =	shalt  }
0x77: {  	_ =	shalt  }
0x78: {  	_ =	shalt  }
0x79: {  	_ =	shalt  }
0x7a: {  	_ =	shalt  }
0x7b: {  	_ =	shalt  }
0x7c: {  	_ =	shalt  }
0x7d: {  	_ =	shalt  }
0x7e: {  	_ =	shalt  }
0x7f: {  	_ =	shalt  }
0x80: {  	_ =	shalt  }
0x81: {  	_ =	shalt  }
0x82: {  	_ =	shalt  }
0x83: {  	_ =	shalt  }
0x84: {  	_ =	shalt  }
0x85: {  	_ =	shalt  }
0x86: {  	_ =	shalt  }
0x87: {  	_ =	shalt  }
.Lfunc_end0:
.L_simem_size_0:
called_computation_lowered:
.L_overlay_start_0:
0x88: {  	s2 =	sld [smem:$0x3FD9]  }
0x89: {  	s3 =	sld [smem:$0x3FFE];
	_ =	sdelay $0x1  }
0x8a: {  	s1 =	srdreg.scid  }
0x8b: {  	s0 =	sand.u32 $0x1, s1  }
0x8c: {  	s17 =	sshll.u32 s0, $0xA;
	s2 =	sadd.s32 s3, s2  }
0x8d: {  	s2 =	sadd.s32 s2, s17  }
0x8e: {  	[smem:$0x3FC5] =	sst s2  }
0x8f: {  	_ = 	snop  }
0x90: {  	s2 =	sld [smem:$0x3FC9]  }
0x91: {  	s18 =	sld [smem:$0x3FC8]  }
0x92: {  	s4 =	sld [smem:$0x3FC7];
	(tm) =	ssettm $0x1  }
0x93: {  	s5 =	sld [smem:$0x3FFB];
	_ =	sdelay $0x3  }
0x94: {  	_ =	strace s5  }
0x95: {  	s5 =	sld [smem:$0x3FFC];
	_ =	sdelay $0x3  }
0x96: {  	_ =	strace s5  }
0x97: {  	s5 =	sld [smem:$0x3FFD];
	_ =	sdelay $0x3  }
0x98: {  	_ =	strace s5  }
0x99: {  	_ =	strace $0x8FFFFFFF  }
0x9a: {  	s19 =	sld [smem:$0x3FDB];
	_ =	sdelay $0x1  }
0x9b: {  	s6 =	simm.s32 $_scs_section_size  }
0x9c: {  	s7 =	simm.s32 $_size__tile_overlayer_lowered;
	s8 =	simm.s32 $_tile_overlayer_lowered  }
0x9d: {  	s22 =	simm.s32 $0x1BFF;
	s21 =	sshll.u32 s8, $0x1;
	s5 =	sadd.s32 s6, s19  }
0x9e: {  	s9 =	simm.s32 $0x0;
	s20 =	sshll.u32 s7, $0x1;
	s7 =	sadd.s32 s21, s5  }
0x9f: {  	[timem:s9], [sflag:s22] =	dma.local [hbm:s7], s20  }
0xa0: {  	_ =	swait.ge [sflag:s22], s20  }
0xa1: {  	s6 =	ssub.s32 $0x0, s20;
	[sflag:s22] =	ssyncset.done $0x0  }
0xa2: {  	[sflag:s22] =	ssyncadd.s32 s6;
	_ =	sdelay $0x1  }
0xa3: {  	s23 =	simm.s32 $0x1B8B  }
0xa4: {  	_ =	swait.ge [sflag:s23], $0x1  }
0xa5: {  	[sflag:s23] =	ssyncset.done $0x0  }
0xa6: {  	s25 =	simm.s32 $0x1B8E;
	s24 =	sld [smem:$0x3FFE];
	[sflag:s23] =	ssyncadd.s32 $0xFFFFFFFF  }
0xa7: {  	s26 =	simm.s32 $execute0_lowered;
	[smem:$0x3FD2] =	sst s25  }
0xa8: {  	s7 =	sshll.u32 s26, $0x1;
	_ =	strace $0x80000046;
	[dreg:$0x1] =	wrdreg $0xFFFFFFFF  }
0xa9: {  	s28 =	simm.s32 $_size_execute0_lowered;
	s5 =	sadd.s32 s5, s7;
	[dreg:$0x0] =	wrdreg $0x0  }
0xaa: {  	s7 =	sshll.u32 s28, $0x1;
	[dreg:$0x2] =	wrdreg s5  }
0xab: {  	[dreg:$0x3] =	wrdreg s7  }
0xac: {  	[dreg:$0x4] =	wrdreg $0xC0  }
0xad: {  	_ =	task [dreg:s9], $0x5FFFF  }
0xae: {  	[dreg:$0x1] =	wrdreg $0xFFFFFFFF  }
0xaf: {  	[dreg:$0x0] =	wrdreg $0x60  }
0xb0: {  	[dreg:$0x2] =	wrdreg s2  }
0xb1: {  	[dreg:$0x3] =	wrdreg s18  }
0xb2: {  	[dreg:$0x4] =	wrdreg s4  }
0xb3: {  	[dreg:$0x5] =	wrdreg s24  }
0xb4: {  	[dreg:$0x6] =	wrdreg $0x9  }
0xb5: {  	_ =	task.clear_ibuf [dreg:s9], $0x7FFFF;
	_ =	strace $0x90000046  }
0xb6: {  	s29 =	simm.s32 $0x9;
	_ =	strace $0x80000048  }
0xb7: {  	_ =	swait.ge [sflag:s29], $0x1  }
0xb8: {  	[sflag:s29] =	ssyncadd.s32 $0xFFFFFFFF  }
0xb9: {  	_ =	strace $0x90000048  }
0xba: {  	_ =	sfence  }
0xbb: {  	s30 =	sld [smem:$0x0];
	_ =	sdelay $0x2  }
0xbc: {  	s31 =	sshll.u32 s1, $0xD;
	s1 =	sshrl.u32 s1, $0x2  }
0xbd: {  	s3 =	sand.u32 $0x4000, s31;
	s1 =	sadd.s32 s1, s30  }
0xbe: {  	s0 =	sor.u32 s3, s0;
	s1 =	sshll.u32 s1, $0x11  }
0xbf: {  	s0 =	sor.u32 s1, s0  }
0xc0: {  	s0 =	sadd.s32 $0x8F2B, s0  }
0xc1: {  	[sflag:s0] =	ssyncadd.remote.s32 $0x1  }
0xc2: {  	_ =	sfence.sel $0xFFFF  }
0xc3: {  	[dreg:$0x0] =	wrdreg $0xFFFFFFFF;
	(pc) =	sbr.abs _section_cstart, $3  }
0xc4: {  	[dreg:$0x1] =	wrdreg $0xFFFFFFFF  }
0xc5: {  	_ =	task.clear_ibuf [dreg:s9], $0x2FFFF;
	_ =	strace $0x9FFFFFFF  }
0xc6: {  	(tm) =	ssettm $0x7FFFFFFF  }
0xc7: {  	_ =	shalt  }
tec
execute0_lowered:
.L_overlay_start_1:
0x0: {  	(tag) =	ssettag $0x1  }
0x1: {  	s1 =	rddreg [dreg:$0x0]  }
0x2: {  	s2 =	rddreg [dreg:$0x1]  }
0x3: {  	s4 =	rddreg [dreg:$0x2]  }
0x4: {  	s6 =	rddreg [dreg:$0x3]  }
0x5: {  	s0 =	rddreg [dreg:$0x4]  }
0x6: {  	s7 =	srdreg.scid;
	s3 =	stileid.u32;
	s5 =	simm.s32 $0x0  }
0x7: {  	s14 =	simm.s32 $0x5;
	s15 =	simm.s32 $0x100;
	s16 =	simm.s32 $0x8100  }
0x8: {  	s17 =	simm.s32 $0x4100;
	s18 =	simm.s32 $0xC100;
	s19 =	simm.s32 $0x1  }
0x9: {  	s20 =	simm.s32 $0x3;
	s21 =	simm.s32 $0x2;
	s22 =	simm.s32 $0x4  }
0xa: {  	s23 =	simm.s32 $0x10100;
	s24 =	simm.s32 $0x0;
	s30 =	simm.s32 $0x0  }
0xb: {  	s7 =	sand.u32 $0x1, s7;
	s8 =	sshll.u32 s3, $0x1;
	[smem:$0x7FF] =	sst s5  }
0xc: {  	s8 =	sor.u32 s7, s8;
	s7 =	ssub.s32 $0x2, s7;
	_ =	strace $0x80000047  }
0xd: {  	s9 =	sshll.u32 s8, $0x4;
	s10 =	sshrl.u32 s7, $0x1;
	s29 =	sshll.u32 s8, $0x10  }
0xe: {  	s11 =	sshll.u32 s8, $0x13;
	s12 =	sadd.s32 s9, s6;
	s13 =	ssub.s32 s7, s10  }
0xf: {  	s6 =	sadd.s32 s1, s29;
	s31 =	sor.u32 $0x800, s29;
	s7 =	sadd.s32 s2, s29  }
0x10: {  	s10 =	sor.u32 $0x8000, s11;
	s11 =	sor.u32 $0xC000, s11;
	s8 =	sadd.s32 s1, s31  }
0x11: {  	s9 =	sadd.s32 s2, s31;
	s12 =	sadd.s32 $0x400, s12;
	s13 =	smax.u32 s13, $0x1  }
.LBB2_1:
0x12: {  	[tilespmem:s5], [sflag:$0x5] =	stream.linear.gather [hbm4b:s4+s5], $0x100, $0x38;
	[tilespmem:$0x10180] =	vst v63  }
0x13: {  	_ =	swait.ge [sflag:s14], $0x100  }
0x14: {  	[sflag:s14] =	ssyncset.done $0x0  }
0x15: {  	[sflag:s14] =	ssyncadd.s32 $0xFFFFFF00  }
0x16: {  	[tilespmem:s15], [sflag:$0x1] =	stream.linear.gather [hbm4b:s6+s5], $0x4000, $0x38;
	[tilespmem:$0x10180] =	vst v63  }
0x17: {  	_ = 	snop  }
0x18: {  	[tilespmem:s16], [sflag:$0x3] =	stream.linear.gather [hbm4b:s7+s5], $0x4000, $0x38;
	[tilespmem:$0x10180] =	vst v63  }
0x19: {  	_ = 	snop  }
0x1a: {  	v0 =	vimm.f32 $0.0e+00;
	v7 =	vimm.f32 $0.0e+00;
	[tilespmem:s17], [sflag:$0x2] =	stream.linear.gather [hbm4b:s8+s5], $0x4000, $0x38;
	[tilespmem:$0x10180] =	vst v63  }
0x1b: {  	v1 =	vimm.f32 $0.0e+00;
	v2 =	vimm.f32 $0.0e+00;
	v3 =	vimm.f32 $0.0e+00;
	s25 =	simm.s32 $0x0  }
0x1c: {  	v4 =	vimm.f32 $0.0e+00;
	v5 =	vimm.f32 $0.0e+00;
	v6 =	vimm.f32 $0.0e+00;
	[tilespmem:s18], [sflag:$0x4] =	stream.linear.gather [hbm4b:s9+s5], $0x4000, $0x38;
	[tilespmem:$0x10180] =	vst v63  }
.LBB2_2:
0x1d: {  	_ =	swait.ge [sflag:s19], $0x4000  }
0x1e: {  	[sflag:s19] =	ssyncset.done $0x0  }
0x1f: {  	[sflag:s19] =	ssyncadd.s32 $0xFFFFC000  }
0x20: {  	_ =	swait.ge [sflag:s20], $0x4000  }
0x21: {  	[sflag:s20] =	ssyncset.done $0x0  }
0x22: {  	s26 =	simm.s32 $0x0;
	[sflag:s20] =	ssyncadd.s32 $0xFFFFC000  }
0x23: {  	v8 =	vld [tilespmem:s26+$0x8170]  }
0x24: {  	v9 =	vld [tilespmem:s26+$0x8100]  }
0x25: {  	v10 =	vld [tilespmem:s26+$0x8110]  }
0x26: {  	v11 =	vld [tilespmem:s26+$0x8120]  }
0x27: {  	v12 =	vld [tilespmem:s26+$0x8130]  }
0x28: {  	v13 =	vld [tilespmem:s26+$0x8140]  }
0x29: {  	v16 =	vld [tilespmem:s26+$0x8150]  }
0x2a: {  	v18 =	vld [tilespmem:s26+$0x8160]  }
0x2b: {  	v23 =	vld [tilespmem:s26+$0x100]  }
0x2c: {  	v24 =	vld [tilespmem:s26+$0x110]  }
0x2d: {  	v27 =	vld [tilespmem:s26+$0x170]  }
0x2e: {  	v26 =	vld [tilespmem:s26+$0x120]  }
0x2f: {  	v14 =	vmax.f32 v8, $-7.000000000e+00;
	v15 =	vmax.f32 v9, $-7.000000000e+00  }
0x30: {  	v17 =	vmax.f32 v10, $-7.000000000e+00;
	v19 =	vmax.f32 v11, $-7.000000000e+00;
	v20 =	vmax.f32 v12, $-7.000000000e+00  }
0x31: {  	v21 =	vmax.f32 v13, $-7.000000000e+00;
	v22 =	vmax.f32 v16, $-7.000000000e+00;
	v9 =	vsub.f32 v23, v9  }
0x32: {  	v25 =	vmax.f32 v18, $-7.000000000e+00;
	v10 =	vsub.f32 v24, v10;
	v8 =	vsub.f32 v27, v8  }
0x33: {  	v28 =	vld [tilespmem:s26+$0x130];
	v11 =	vsub.f32 v26, v11;
	v14 =	vmin.f32 v14, $7.000000000e+00;
	v15 =	vmin.f32 v15, $7.000000000e+00  }
0x34: {  	v29 =	vld [tilespmem:s26+$0x140];
	v17 =	vmin.f32 v17, $7.000000000e+00;
	v19 =	vmin.f32 v19, $7.000000000e+00;
	v20 =	vmin.f32 v20, $7.000000000e+00  }
0x35: {  	v30 =	vld [tilespmem:s26+$0x150];
	v21 =	vmin.f32 v21, $7.000000000e+00;
	v14 =	vmul.f32 $1.821428490e+01, v14;
	v15 =	vmul.f32 $1.821428490e+01, v15  }
0x36: {  	v22 =	vmin.f32 v22, $7.000000000e+00;
	v17 =	vmul.f32 $1.821428490e+01, v17;
	v19 =	vmul.f32 $1.821428490e+01, v19  }
0x37: {  	v25 =	vmin.f32 v25, $7.000000000e+00;
	v20 =	vmul.f32 $1.821428490e+01, v20;
	v21 =	vmul.f32 $1.821428490e+01, v21  }
0x38: {  	v23 =	vld [tilespmem:s26+$0x160];
	v12 =	vsub.f32 v28, v12;
	v22 =	vmul.f32 $1.821428490e+01, v22;
	v25 =	vmul.f32 $1.821428490e+01, v25  }
0x39: {  	v13 =	vsub.f32 v29, v13;
	v8 =	vmul.f32 v8, v8;
	v9 =	vmul.f32 v9, v9  }
0x3a: {  	v16 =	vsub.f32 v30, v16;
	v27 =	vmul.f32 v10, v10;
	v28 =	vmul.f32 v12, v12  }
0x3b: {  	v13 =	vmul.f32 v13, v13;
	v14 =	vadd.f32 $1.280000000e+02, v14;
	v15 =	vadd.f32 $1.280000000e+02, v15  }
0x3c: {  	v16 =	vmul.f32 v16, v16;
	v17 =	vadd.f32 $1.280000000e+02, v17;
	v19 =	vadd.f32 $1.280000000e+02, v19  }
0x3d: {  	v20 =	vadd.f32 $1.280000000e+02, v20;
	v10 =	vsub.f32 v23, v18;
	v23 =	vmul.f32 v11, v11  }
0x3e: {  	s29 =	simm.s32 $0x80;
	v21 =	vadd.f32 $1.280000000e+02, v21;
	v14 =	vtrunc.f32 v14;
	v15 =	vtrunc.f32 v15  }
0x3f: {  	v30 =	vld [tilespmem:s29+$0x8150];
	v22 =	vadd.f32 $1.280000000e+02, v22;
	v17 =	vtrunc.f32 v17;
	v19 =	vtrunc.f32 v19  }
0x40: {  	v34 =	vld [tilespmem:s29+$0x100];
	v25 =	vadd.f32 $1.280000000e+02, v25;
	v20 =	vtrunc.f32 v20;
	v14 =	vcvt.f32.s32 v14  }
0x41: {  	v26 =	vld [tilespmem:s29+$0x8100];
	v21 =	vtrunc.f32 v21;
	v15 =	vcvt.f32.s32 v15  }
0x42: {  	v22 =	vtrunc.f32 v22;
	v24 =	vtrunc.f32 v25;
	v25 =	vld [tilespmem:s29+$0x8170]  }
0x43: {  	v37 =	vld [tilespmem:s29+$0x110];
	v17 =	vcvt.f32.s32 v17;
	v19 =	vcvt.f32.s32 v19  }
0x44: {  	v18 =	vld [tilespmem:s29+$0x8120];
	v36 =	vmax.f32 v30, $-7.000000000e+00;
	v20 =	vcvt.f32.s32 v20;
	v22 =	vcvt.f32.s32 v22  }
0x45: {  	v41 =	vld [tilespmem:s29+$0x170];
	v36 =	vmin.f32 v36, $7.000000000e+00;
	v21 =	vcvt.f32.s32 v21;
	v24 =	vcvt.f32.s32 v24  }
0x46: {  	v29 =	vmul.f32 v10, v10;
	v10 =	vmax.f32 v26, $-7.000000000e+00;
	v36 =	vmul.f32 $1.821428490e+01, v36;
	v14 =	vld.idx.msk [tilespmem:v14+s5+$0x0], $0xffff  }
0x47: {  	v26 =	vsub.f32 v34, v26;
	v10 =	vmin.f32 v10, $7.000000000e+00;
	v12 =	vmax.f32 v25, $-7.000000000e+00;
	v15 =	vld.idx.msk [tilespmem:v15+s5+$0x0], $0xffff  }
0x48: {  	v38 =	vld [tilespmem:s29+$0x120];
	v10 =	vmul.f32 $1.821428490e+01, v10;
	v36 =	vadd.f32 $1.280000000e+02, v36;
	v12 =	vmin.f32 v12, $7.000000000e+00  }
0x49: {  	v40 =	vld [tilespmem:s29+$0x130];
	v26 =	vmul.f32 v26, v26;
	v32 =	vmax.f32 v18, $-7.000000000e+00;
	v12 =	vmul.f32 $1.821428490e+01, v12  }
0x4a: {  	v32 =	vmin.f32 v32, $7.000000000e+00;
	v10 =	vadd.f32 $1.280000000e+02, v10;
	v50 =	vtrunc.f32 v36;
	v22 =	vld.idx.msk [tilespmem:v22+s5+$0x0], $0xffff  }
0x4b: {  	v32 =	vmul.f32 $1.821428490e+01, v32;
	v12 =	vadd.f32 $1.280000000e+02, v12;
	v8 =	vmul.f32 v8, v14;
	v14 =	vld [tilespmem:s29+$0x8110]  }
0x4c: {  	v25 =	vsub.f32 v41, v25;
	v10 =	vtrunc.f32 v10;
	v15 =	vmul.f32 v9, v15;
	v9 =	vld [tilespmem:s29+$0x8160]  }
0x4d: {  	v32 =	vadd.f32 $1.280000000e+02, v32;
	v12 =	vtrunc.f32 v12;
	v11 =	vadd.f32 v8, v7;
	v7 =	vld [tilespmem:s29+$0x8130]  }
0x4e: {  	v25 =	vmul.f32 v25, v25;
	v12 =	vcvt.f32.s32 v12;
	v8 =	vld [tilespmem:s29+$0x8140]  }
0x4f: {  	v42 =	vld [tilespmem:s29+$0x140];
	v18 =	vsub.f32 v38, v18;
	v10 =	vcvt.f32.s32 v10;
	v32 =	vtrunc.f32 v32  }
0x50: {  	v44 =	vld [tilespmem:s29+$0x160];
	v32 =	vcvt.f32.s32 v32;
	v16 =	vmul.f32 v16, v22;
	v31 =	vmax.f32 v14, $-7.000000000e+00  }
0x51: {  	v39 =	vmax.f32 v9, $-7.000000000e+00;
	v14 =	vsub.f32 v37, v14;
	v31 =	vmin.f32 v31, $7.000000000e+00  }
0x52: {  	s31 =	simm.s32 $0x100;
	v43 =	vld [tilespmem:s29+$0x150];
	v39 =	vmin.f32 v39, $7.000000000e+00;
	v33 =	vmax.f32 v7, $-7.000000000e+00;
	v31 =	vmul.f32 $1.821428490e+01, v31  }
0x53: {  	v57 =	vld [tilespmem:s31+$0x130];
	v35 =	vmax.f32 v8, $-7.000000000e+00;
	v39 =	vmul.f32 $1.821428490e+01, v39;
	v52 =	vsub.f32 v40, v7  }
0x54: {  	v12 =	vld.idx.msk [tilespmem:v12+s5+$0x0], $0xffff;
	v8 =	vsub.f32 v42, v8;
	v7 =	vmul.f32 v14, v14;
	v33 =	vmin.f32 v33, $7.000000000e+00  }
0x55: {  	v17 =	vld.idx.msk [tilespmem:v17+s5+$0x0], $0xffff;
	v14 =	vsub.f32 v44, v9;
	v35 =	vmin.f32 v35, $7.000000000e+00;
	v33 =	vmul.f32 $1.821428490e+01, v33  }
0x56: {  	v19 =	vld.idx.msk [tilespmem:v19+s5+$0x0], $0xffff;
	v35 =	vmul.f32 $1.821428490e+01, v35;
	v31 =	vadd.f32 $1.280000000e+02, v31;
	v39 =	vadd.f32 $1.280000000e+02, v39  }
0x57: {  	v20 =	vld.idx.msk [tilespmem:v20+s5+$0x0], $0xffff;
	v9 =	vmul.f32 v18, v18;
	v8 =	vmul.f32 v8, v8;
	v33 =	vadd.f32 $1.280000000e+02, v33  }
0x58: {  	v21 =	vld.idx.msk [tilespmem:v21+s5+$0x0], $0xffff;
	v35 =	vadd.f32 $1.280000000e+02, v35;
	v31 =	vtrunc.f32 v31;
	v51 =	vtrunc.f32 v39  }
0x59: {  	v25 =	vmul.f32 v25, v12;
	v12 =	vsub.f32 v43, v30;
	v30 =	vld.idx.msk [tilespmem:v10+s5+$0x0], $0xffff;
	v10 =	vmul.f32 v52, v52  }
0x5a: {  	v24 =	vld.idx.msk [tilespmem:v24+s5+$0x0], $0xffff;
	v31 =	vcvt.f32.s32 v31;
	v36 =	vcvt.f32.s32 v51  }
0x5b: {  	v18 =	vld [tilespmem:s31+$0x8170];
	v33 =	vtrunc.f32 v33;
	v49 =	vtrunc.f32 v35  }
0x5c: {  	v35 =	vcvt.f32.s32 v50;
	v12 =	vmul.f32 v12, v12;
	v53 =	vadd.f32 v25, v11;
	v25 =	vld [tilespmem:s31+$0x8100]  }
0x5d: {  	v11 =	vmul.f32 v14, v14;
	v14 =	vmul.f32 v27, v17;
	v27 =	vld [tilespmem:s31+$0x8120]  }
0x5e: {  	v17 =	vmul.f32 v23, v19;
	v19 =	vmul.f32 v28, v20;
	v28 =	vld [tilespmem:s31+$0x8130]  }
0x5f: {  	v6 =	vadd.f32 v15, v6;
	v20 =	vmul.f32 v13, v21;
	v13 =	vmul.f32 v29, v24;
	v24 =	vld [tilespmem:s31+$0x8150]  }
0x60: {  	v1 =	vadd.f32 v16, v1;
	v29 =	vld [tilespmem:s31+$0x100];
	v33 =	vcvt.f32.s32 v33;
	v34 =	vcvt.f32.s32 v49  }
0x61: {  	v15 =	vld [tilespmem:s31+$0x8110];
	v5 =	vadd.f32 v14, v5;
	v3 =	vadd.f32 v19, v3;
	v19 =	vmax.f32 v18, $-7.000000000e+00  }
0x62: {  	v54 =	vld [tilespmem:s31+$0x110];
	v4 =	vadd.f32 v17, v4;
	v2 =	vadd.f32 v20, v2;
	v19 =	vmin.f32 v19, $7.000000000e+00  }
0x63: {  	v14 =	vmul.f32 v26, v30;
	v19 =	vmul.f32 $1.821428490e+01, v19;
	v20 =	vmax.f32 v25, $-7.000000000e+00  }
0x64: {  	v17 =	vld [tilespmem:s31+$0x8140];
	v21 =	vmax.f32 v27, $-7.000000000e+00;
	v22 =	vmax.f32 v28, $-7.000000000e+00;
	v30 =	vmax.f32 v24, $-7.000000000e+00  }
0x65: {  	v60 =	vld [tilespmem:s31+$0x150];
	v25 =	vsub.f32 v29, v25;
	v62 =	vsub.f32 v57, v28;
	v16 =	vmin.f32 v20, $7.000000000e+00  }
0x66: {  	v26 =	vld [tilespmem:s31+$0x8160];
	v20 =	vmax.f32 v15, $-7.000000000e+00;
	v21 =	vmin.f32 v21, $7.000000000e+00;
	v19 =	vadd.f32 $1.280000000e+02, v19  }
0x67: {  	v22 =	vmin.f32 v22, $7.000000000e+00;
	v30 =	vmin.f32 v30, $7.000000000e+00;
	v15 =	vsub.f32 v54, v15  }
0x68: {  	v16 =	vmul.f32 $1.821428490e+01, v16;
	v20 =	vmin.f32 v20, $7.000000000e+00;
	v21 =	vmul.f32 $1.821428490e+01, v21  }
0x69: {  	v23 =	vmax.f32 v17, $-7.000000000e+00;
	v22 =	vmul.f32 $1.821428490e+01, v22;
	v19 =	vtrunc.f32 v19  }
0x6a: {  	v30 =	vmul.f32 $1.821428490e+01, v30;
	v28 =	vld.idx.msk [tilespmem:v34+s5+$0x0], $0xffff;
	v34 =	vsub.f32 v60, v24;
	v19 =	vcvt.f32.s32 v19  }
0x6b: {  	v24 =	vmul.f32 v25, v25;
	v20 =	vmul.f32 $1.821428490e+01, v20;
	v55 =	vmax.f32 v26, $-7.000000000e+00  }
0x6c: {  	v58 =	vld [tilespmem:s31+$0x170];
	v23 =	vmin.f32 v23, $7.000000000e+00;
	v25 =	vmul.f32 v15, v15;
	v39 =	vmin.f32 v55, $7.000000000e+00  }
0x6d: {  	v56 =	vld [tilespmem:s31+$0x120];
	v16 =	vadd.f32 $1.280000000e+02, v16;
	v23 =	vmul.f32 $1.821428490e+01, v23;
	v21 =	vadd.f32 $1.280000000e+02, v21  }
0x6e: {  	v59 =	vld [tilespmem:s31+$0x140];
	v22 =	vadd.f32 $1.280000000e+02, v22;
	v30 =	vadd.f32 $1.280000000e+02, v30;
	v39 =	vmul.f32 $1.821428490e+01, v39  }
0x6f: {  	v45 =	vld [tilespmem:s31+$0x160];
	v20 =	vadd.f32 $1.280000000e+02, v20;
	v16 =	vtrunc.f32 v16;
	v29 =	vtrunc.f32 v21  }
0x70: {  	v23 =	vadd.f32 $1.280000000e+02, v23;
	v46 =	vtrunc.f32 v22;
	v61 =	vcvt.f32.s32 v16;
	v47 =	vld.idx.msk [tilespmem:v19+s5+$0x0], $0xffff  }
0x71: {  	v30 =	vtrunc.f32 v30;
	v22 =	vld.idx.msk [tilespmem:v31+s5+$0x0], $0xffff;
	v31 =	vsub.f32 v58, v18;
	v20 =	vtrunc.f32 v20  }
0x72: {  	v39 =	vadd.f32 $1.280000000e+02, v39;
	v18 =	vcvt.f32.s32 v46;
	v21 =	vcvt.f32.s32 v20  }
0x73: {  	v20 =	vcvt.f32.s32 v29;
	v29 =	vsub.f32 v56, v27;
	v27 =	vld.idx.msk [tilespmem:v33+s5+$0x0], $0xffff;
	v31 =	vmul.f32 v31, v31  }
0x74: {  	v33 =	vsub.f32 v59, v17;
	v17 =	vcvt.f32.s32 v30;
	v19 =	vtrunc.f32 v23;
	v23 =	vld.idx.msk [tilespmem:v32+s5+$0x0], $0xffff  }
0x75: {  	v16 =	vtrunc.f32 v39;
	v32 =	vld.idx.msk [tilespmem:v35+s5+$0x0], $0xffff;
	v63 =	vmul.f32 v31, v47  }
0x76: {  	v16 =	vcvt.f32.s32 v16;
	v35 =	vsub.f32 v45, v26;
	v29 =	vmul.f32 v29, v29;
	v30 =	vld.idx.msk [tilespmem:v61+s5+$0x0], $0xffff  }
0x77: {  	s28 =	simm.s32 $0x180;
	s26 =	simm.s32 $0x800;
	v26 =	vmul.f32 v62, v62;
	v19 =	vcvt.f32.s32 v19;
	v31 =	vld.idx.msk [tilespmem:v36+s5+$0x0], $0xffff;
	v15 =	vadd.f32 v63, v53  }
.LBB2_3:
0x78: {  	p0 =	sne.s32 s26, $0xFE00;
	v36 =	vld [tilespmem:s28+$0x8170];
	v33 =	vmul.f32 v33, v33;
	v34 =	vmul.f32 v34, v34;
	v6 =	vadd.f32 v14, v6  }
0x79: {  	v35 =	vmul.f32 v35, v35;
	v14 =	vmul.f32 v7, v22;
	v0 =	vadd.f32 v13, v0;
	v7 =	vmovc v25;
	v37 =	vld [tilespmem:s28+$0x8100]  }
0x7a: {  	v13 =	vmul.f32 v9, v23;
	v22 =	vmul.f32 v10, v27;
	v9 =	vmovc v29;
	v10 =	vmov v26;
	v25 =	vld [tilespmem:s28+$0x8110]  }
0x7b: {  	v23 =	vmul.f32 v8, v28;
	v27 =	vmul.f32 v12, v32;
	v5 =	vadd.f32 v14, v5;
	v8 =	vmovc v33;
	v26 =	vld [tilespmem:s28+$0x8120]  }
0x7c: {  	v4 =	vadd.f32 v13, v4;
	v3 =	vadd.f32 v22, v3;
	v13 =	vmul.f32 v11, v31;
	v12 =	vmovc v34;
	v29 =	vld [tilespmem:s28+$0x8130]  }
0x7d: {  	v2 =	vadd.f32 v23, v2;
	v11 =	vmovc v35;
	v14 =	vmul.f32 v24, v30;
	v33 =	vld [tilespmem:s28+$0x8140];
	v22 =	vmax.f32 v36, $-7.000000000e+00  }
0x7e: {  	v1 =	vadd.f32 v27, v1;
	v23 =	vmax.f32 v37, $-7.000000000e+00;
	v24 =	vld [tilespmem:s28+$0x8150];
	v22 =	vmin.f32 v22, $7.000000000e+00  }
0x7f: {  	v23 =	vmin.f32 v23, $7.000000000e+00;
	v27 =	vmax.f32 v25, $-7.000000000e+00;
	v30 =	vld [tilespmem:s28+$0x8160];
	v22 =	vmul.f32 $1.821428490e+01, v22  }
0x80: {  	v28 =	vld [tilespmem:s28+$0x100];
	v23 =	vmul.f32 $1.821428490e+01, v23;
	v27 =	vmin.f32 v27, $7.000000000e+00;
	v31 =	vmax.f32 v26, $-7.000000000e+00  }
0x81: {  	v32 =	vld [tilespmem:s28+$0x110];
	v31 =	vmin.f32 v31, $7.000000000e+00;
	v34 =	vmax.f32 v29, $-7.000000000e+00;
	v22 =	vadd.f32 $1.280000000e+02, v22  }
0x82: {  	v27 =	vmul.f32 $1.821428490e+01, v27;
	v35 =	vld [tilespmem:s28+$0x120];
	v34 =	vmin.f32 v34, $7.000000000e+00;
	v38 =	vmax.f32 v33, $-7.000000000e+00  }
0x83: {  	v39 =	vld [tilespmem:s28+$0x130];
	v38 =	vmin.f32 v38, $7.000000000e+00;
	v40 =	vmax.f32 v24, $-7.000000000e+00;
	v22 =	vtrunc.f32 v22  }
0x84: {  	v41 =	vld [tilespmem:s28+$0x140];
	v40 =	vmin.f32 v40, $7.000000000e+00;
	v42 =	vmax.f32 v30, $-7.000000000e+00;
	v43 =	vcvt.f32.s32 v22  }
0x85: {  	v22 =	vmul.f32 $1.821428490e+01, v31;
	v31 =	vmul.f32 $1.821428490e+01, v34;
	v34 =	vld [tilespmem:s28+$0x150];
	v42 =	vmin.f32 v42, $7.000000000e+00  }
0x86: {  	v23 =	vadd.f32 $1.280000000e+02, v23;
	v38 =	vmul.f32 $1.821428490e+01, v38;
	v40 =	vmul.f32 $1.821428490e+01, v40;
	v44 =	vld [tilespmem:s28+$0x160]  }
0x87: {  	v27 =	vadd.f32 $1.280000000e+02, v27;
	v45 =	vadd.f32 $1.280000000e+02, v22;
	v42 =	vmul.f32 $1.821428490e+01, v42;
	v46 =	vld [tilespmem:s28+$0x170]  }
0x88: {  	v47 =	vtrunc.f32 v23;
	v31 =	vadd.f32 $1.280000000e+02, v31;
	v38 =	vadd.f32 $1.280000000e+02, v38;
	v22 =	vld.idx.msk [tilespmem:v21+s5+$0x0], $0xffff  }
0x89: {  	v21 =	vtrunc.f32 v27;
	v27 =	vadd.f32 $1.280000000e+02, v40;
	v40 =	vadd.f32 $1.280000000e+02, v42;
	v23 =	vld.idx.msk [tilespmem:v20+s5+$0x0], $0xffff  }
0x8a: {  	v37 =	vsub.f32 v28, v37;
	v31 =	vtrunc.f32 v31;
	v20 =	vtrunc.f32 v45;
	v42 =	vld.idx.msk [tilespmem:v43+s5+$0x0], $0xffff  }
0x8b: {  	v25 =	vsub.f32 v32, v25;
	v38 =	vtrunc.f32 v38;
	v43 =	vtrunc.f32 v27;
	v27 =	vld.idx.msk [tilespmem:v18+s5+$0x0], $0xffff  }
0x8c: {  	v45 =	vcvt.f32.s32 v47;
	v40 =	vtrunc.f32 v40;
	v36 =	vsub.f32 v46, v36;
	v28 =	vld.idx.msk [tilespmem:v19+s5+$0x0], $0xffff  }
0x8d: {  	v26 =	vsub.f32 v35, v26;
	v21 =	vcvt.f32.s32 v21;
	v20 =	vcvt.f32.s32 v20;
	v32 =	vld.idx.msk [tilespmem:v17+s5+$0x0], $0xffff  }
.Ltmp0:
0x8e: {  	v39 =	vsub.f32 v39, v29;
	v18 =	vcvt.f32.s32 v31;
	v29 =	vmul.f32 v36, v36;
	v31 =	vld.idx.msk [tilespmem:v16+s5+$0x0], $0xffff;
	(pc) =	sbr.rel @p0 .LBB2_3-.Ltmp0, $4  }
0x8f: {  	v33 =	vsub.f32 v41, v33;
	v19 =	vcvt.f32.s32 v38;
	v17 =	vcvt.f32.s32 v43  }
0x90: {  	v34 =	vsub.f32 v34, v24;
	v16 =	vcvt.f32.s32 v40;
	v36 =	vmul.f32 v29, v42  }
0x91: {  	v25 =	vmul.f32 v25, v25;
	v24 =	vmul.f32 v37, v37;
	v35 =	vsub.f32 v44, v30  }
0x92: {  	s28 =	sshra.s32 s26, $0x2;
	s26 =	sadd.s32 $0x200, s26;
	v29 =	vmul.f32 v26, v26;
	v26 =	vmul.f32 v39, v39;
	v30 =	vld.idx.msk [tilespmem:v45+s5+$0x0], $0xffff;
	v15 =	vadd.f32 v36, v15  }
0x93: {  	v36 =	vld [tilespmem:s28+$0x8170]  }
0x94: {  	v37 =	vld [tilespmem:s28+$0x8100]  }
0x95: {  	v38 =	vld [tilespmem:s28+$0x8110]  }
0x96: {  	v39 =	vld [tilespmem:s28+$0x8120]  }
0x97: {  	v40 =	vld [tilespmem:s28+$0x8130]  }
0x98: {  	v41 =	vld [tilespmem:s28+$0x8140]  }
0x99: {  	v44 =	vld [tilespmem:s28+$0x8150]  }
0x9a: {  	v45 =	vld [tilespmem:s28+$0x8160];
	_ =	sdelay $0x1  }
0x9b: {  	v42 =	vmax.f32 v36, $-7.000000000e+00  }
0x9c: {  	v43 =	vmax.f32 v37, $-7.000000000e+00;
	v46 =	vmax.f32 v38, $-7.000000000e+00;
	v48 =	vmax.f32 v39, $-7.000000000e+00  }
0x9d: {  	v47 =	vld [tilespmem:s28+$0x100];
	v50 =	vmax.f32 v40, $-7.000000000e+00;
	v52 =	vmax.f32 v41, $-7.000000000e+00;
	v54 =	vmax.f32 v44, $-7.000000000e+00  }
0x9e: {  	v49 =	vld [tilespmem:s28+$0x110];
	v56 =	vmax.f32 v45, $-7.000000000e+00;
	v42 =	vmin.f32 v42, $7.000000000e+00;
	v43 =	vmin.f32 v43, $7.000000000e+00  }
0x9f: {  	v51 =	vld [tilespmem:s28+$0x120];
	v46 =	vmin.f32 v46, $7.000000000e+00;
	v48 =	vmin.f32 v48, $7.000000000e+00;
	v50 =	vmin.f32 v50, $7.000000000e+00  }
0xa0: {  	v53 =	vld [tilespmem:s28+$0x130];
	v52 =	vmin.f32 v52, $7.000000000e+00;
	v54 =	vmin.f32 v54, $7.000000000e+00;
	v42 =	vmul.f32 $1.821428490e+01, v42  }
0xa1: {  	v55 =	vld [tilespmem:s28+$0x140];
	v56 =	vmin.f32 v56, $7.000000000e+00;
	v43 =	vmul.f32 $1.821428490e+01, v43;
	v46 =	vmul.f32 $1.821428490e+01, v46  }
0xa2: {  	v57 =	vld [tilespmem:s28+$0x150];
	v48 =	vmul.f32 $1.821428490e+01, v48;
	v50 =	vmul.f32 $1.821428490e+01, v50;
	v42 =	vadd.f32 $1.280000000e+02, v42  }
0xa3: {  	v58 =	vld [tilespmem:s28+$0x160];
	v52 =	vmul.f32 $1.821428490e+01, v52;
	v54 =	vmul.f32 $1.821428490e+01, v54;
	v43 =	vadd.f32 $1.280000000e+02, v43  }
0xa4: {  	v59 =	vld [tilespmem:s28+$0x170];
	v56 =	vmul.f32 $1.821428490e+01, v56;
	v46 =	vadd.f32 $1.280000000e+02, v46;
	v42 =	vtrunc.f32 v42  }
0xa5: {  	v21 =	vld.idx.msk [tilespmem:v21+s5+$0x0], $0xffff;
	v48 =	vadd.f32 $1.280000000e+02, v48;
	v43 =	vtrunc.f32 v43;
	v42 =	vcvt.f32.s32 v42  }
0xa6: {  	v20 =	vld.idx.msk [tilespmem:v20+s5+$0x0], $0xffff;
	v50 =	vadd.f32 $1.280000000e+02, v50;
	v46 =	vtrunc.f32 v46;
	v43 =	vcvt.f32.s32 v43  }
0xa7: {  	v18 =	vld.idx.msk [tilespmem:v18+s5+$0x0], $0xffff;
	v52 =	vadd.f32 $1.280000000e+02, v52;
	v48 =	vtrunc.f32 v48;
	v46 =	vcvt.f32.s32 v46  }
0xa8: {  	v19 =	vld.idx.msk [tilespmem:v19+s5+$0x0], $0xffff;
	v54 =	vadd.f32 $1.280000000e+02, v54;
	v50 =	vtrunc.f32 v50;
	v48 =	vcvt.f32.s32 v48  }
0xa9: {  	v17 =	vld.idx.msk [tilespmem:v17+s5+$0x0], $0xffff;
	v56 =	vadd.f32 $1.280000000e+02, v56;
	v52 =	vtrunc.f32 v52;
	v50 =	vcvt.f32.s32 v50  }
0xaa: {  	v16 =	vld.idx.msk [tilespmem:v16+s5+$0x0], $0xffff;
	v54 =	vtrunc.f32 v54;
	v52 =	vcvt.f32.s32 v52  }
0xab: {  	v56 =	vtrunc.f32 v56;
	v54 =	vcvt.f32.s32 v54;
	v42 =	vld.idx.msk [tilespmem:v42+s5+$0x0], $0xffff  }
0xac: {  	v56 =	vcvt.f32.s32 v56;
	v43 =	vld.idx.msk [tilespmem:v43+s5+$0x0], $0xffff  }
0xad: {  	v6 =	vadd.f32 v14, v6;
	v7 =	vmul.f32 v7, v22;
	v14 =	vld.idx.msk [tilespmem:v46+s5+$0x0], $0xffff  }
0xae: {  	v0 =	vadd.f32 v13, v0;
	v9 =	vmul.f32 v9, v23;
	v10 =	vmul.f32 v10, v27;
	s26 =	sshll.u32 s25, $0xF;
	v13 =	vld.idx.msk [tilespmem:v48+s5+$0x0], $0xffff  }
0xaf: {  	s28 =	sadd.s32 s26, s10;
	v5 =	vadd.f32 v7, v5;
	v7 =	vmul.f32 v8, v28;
	v8 =	vmul.f32 v12, v32;
	v12 =	vld.idx.msk [tilespmem:v50+s5+$0x0], $0xffff  }
0xb0: {  	v3 =	vadd.f32 v10, v3;
	s28 =	sshrl.u32 s28, $0x3;
	v10 =	vld.idx.msk [tilespmem:v52+s5+$0x0], $0xffff  }
0xb1: {  	v4 =	vadd.f32 v9, v4;
	v9 =	vmul.f32 v11, v31;
	s29 =	sadd.s32 s1, s28;
	v22 =	vld.idx.msk [tilespmem:v54+s5+$0x0], $0xffff  }
0xb2: {  	v23 =	vmul.f32 v35, v35;
	v2 =	vadd.f32 v7, v2;
	v27 =	vld.idx.msk [tilespmem:v56+s5+$0x0], $0xffff;
	[tilespmem:s15], [sflag:$0x1] =	stream.linear.gather [hbm4b:s29+s30], $0x4000, $0x38  }
0xb3: {  	v11 =	vmul.f32 v33, v33;
	s28 =	sadd.s32 s2, s28;
	v1 =	vadd.f32 v8, v1;
	v0 =	vadd.f32 v9, v0  }
0xb4: {  	v8 =	vmul.f32 v34, v34;
	v7 =	vsub.f32 v59, v36;
	v28 =	vsub.f32 v47, v37;
	[tilespmem:s16], [sflag:$0x3] =	stream.linear.gather [hbm4b:s28+s30], $0x4000, $0x38;
	[tilespmem:$0x10180] =	vst v63  }
0xb5: {  	v24 =	vmul.f32 v24, v30;
	v31 =	vsub.f32 v49, v38;
	v30 =	vsub.f32 v51, v39;
	_ =	swait.ge [sflag:s21], $0x4000  }
0xb6: {  	v47 =	vsub.f32 v55, v41;
	v21 =	vmul.f32 v25, v21;
	v20 =	vmul.f32 v29, v20;
	[sflag:s21] =	ssyncset.done $0x0  }
0xb7: {  	v49 =	vsub.f32 v58, v45;
	v9 =	vmul.f32 v26, v18;
	v11 =	vmul.f32 v11, v19;
	[sflag:s21] =	ssyncadd.s32 $0xFFFFC000  }
0xb8: {  	v6 =	vadd.f32 v24, v6;
	v8 =	vmul.f32 v8, v17;
	v28 =	vmul.f32 v28, v28;
	_ =	swait.ge [sflag:s22], $0x4000  }
0xb9: {  	v31 =	vmul.f32 v31, v31;
	v30 =	vmul.f32 v30, v30;
	v5 =	vadd.f32 v21, v5;
	[sflag:s22] =	ssyncset.done $0x0  }
0xba: {  	v33 =	vmul.f32 v47, v47;
	v4 =	vadd.f32 v20, v4;
	v17 =	vadd.f32 v9, v3;
	s28 =	simm.s32 $0x0;
	[sflag:s22] =	ssyncadd.s32 $0xFFFFC000  }
0xbb: {  	v3 =	vmul.f32 v23, v16;
	v46 =	vsub.f32 v53, v40;
	v9 =	vmul.f32 v28, v43;
	v16 =	vld [tilespmem:s28+$0xC170]  }
0xbc: {  	v2 =	vadd.f32 v11, v2;
	v1 =	vadd.f32 v8, v1;
	v11 =	vmul.f32 v31, v14;
	v14 =	vld [tilespmem:s28+$0xC100]  }
0xbd: {  	v32 =	vmul.f32 v46, v46;
	v8 =	vadd.f32 v9, v6;
	v6 =	vmul.f32 v30, v13;
	v13 =	vld [tilespmem:s28+$0xC110]  }
0xbe: {  	v3 =	vadd.f32 v3, v0;
	v0 =	vmul.f32 v33, v10;
	v9 =	vadd.f32 v11, v5;
	v5 =	vld [tilespmem:s28+$0xC120]  }
0xbf: {  	v7 =	vmul.f32 v7, v7;
	v12 =	vmul.f32 v32, v12;
	v10 =	vadd.f32 v6, v4;
	v6 =	vld [tilespmem:s28+$0xC130]  }
0xc0: {  	v24 =	vmul.f32 v49, v49;
	v11 =	vadd.f32 v0, v2;
	v0 =	vld [tilespmem:s28+$0xC140]  }
0xc1: {  	v48 =	vsub.f32 v57, v44;
	v7 =	vmul.f32 v7, v42;
	v12 =	vadd.f32 v12, v17;
	v17 =	vld [tilespmem:s28+$0xC150]  }
0xc2: {  	v19 =	vld [tilespmem:s28+$0xC160]  }
0xc3: {  	v15 =	vadd.f32 v7, v15;
	v7 =	vmul.f32 v48, v48;
	v4 =	vmul.f32 v24, v27;
	v24 =	vld [tilespmem:s28+$0x4100]  }
0xc4: {  	v25 =	vld [tilespmem:s28+$0x4110]  }
0xc5: {  	v7 =	vmul.f32 v7, v22;
	v27 =	vld [tilespmem:s28+$0x4120]  }
0xc6: {  	v28 =	vld [tilespmem:s28+$0x4170]  }
0xc7: {  	v29 =	vld [tilespmem:s28+$0x4130];
	v7 =	vadd.f32 v7, v1  }
0xc8: {  	v2 =	vmax.f32 v16, $-7.000000000e+00;
	v1 =	vmax.f32 v14, $-7.000000000e+00;
	v18 =	vmax.f32 v13, $-7.000000000e+00  }
0xc9: {  	v20 =	vmax.f32 v5, $-7.000000000e+00;
	v21 =	vmax.f32 v6, $-7.000000000e+00;
	v22 =	vmax.f32 v0, $-7.000000000e+00  }
0xca: {  	v23 =	vmax.f32 v17, $-7.000000000e+00;
	v14 =	vsub.f32 v24, v14;
	v13 =	vsub.f32 v25, v13  }
0xcb: {  	v26 =	vmax.f32 v19, $-7.000000000e+00;
	v16 =	vsub.f32 v28, v16;
	v5 =	vsub.f32 v27, v5  }
0xcc: {  	v30 =	vld [tilespmem:s28+$0x4140];
	v6 =	vsub.f32 v29, v6;
	v2 =	vmin.f32 v2, $7.000000000e+00;
	v1 =	vmin.f32 v1, $7.000000000e+00  }
0xcd: {  	v31 =	vld [tilespmem:s28+$0x4150];
	v18 =	vmin.f32 v18, $7.000000000e+00;
	v20 =	vmin.f32 v20, $7.000000000e+00;
	v21 =	vmin.f32 v21, $7.000000000e+00  }
0xce: {  	v22 =	vmin.f32 v22, $7.000000000e+00;
	v2 =	vmul.f32 $1.821428490e+01, v2;
	v1 =	vmul.f32 $1.821428490e+01, v1  }
0xcf: {  	v23 =	vmin.f32 v23, $7.000000000e+00;
	v18 =	vmul.f32 $1.821428490e+01, v18;
	v20 =	vmul.f32 $1.821428490e+01, v20  }
0xd0: {  	v26 =	vmin.f32 v26, $7.000000000e+00;
	v21 =	vmul.f32 $1.821428490e+01, v21;
	v22 =	vmul.f32 $1.821428490e+01, v22  }
0xd1: {  	v0 =	vsub.f32 v30, v0;
	v23 =	vmul.f32 $1.821428490e+01, v23;
	v26 =	vmul.f32 $1.821428490e+01, v26  }
0xd2: {  	v17 =	vsub.f32 v31, v17;
	v16 =	vmul.f32 v16, v16;
	v14 =	vmul.f32 v14, v14  }
0xd3: {  	v13 =	vmul.f32 v13, v13;
	v28 =	vmul.f32 v5, v5;
	v2 =	vadd.f32 $1.280000000e+02, v2  }
0xd4: {  	v24 =	vld [tilespmem:s28+$0x4160];
	s28 =	simm.s32 $0x80;
	v29 =	vmul.f32 v6, v6;
	v1 =	vadd.f32 $1.280000000e+02, v1;
	v18 =	vadd.f32 $1.280000000e+02, v18  }
0xd5: {  	v27 =	vld [tilespmem:s28+$0xC100];
	v17 =	vmul.f32 v17, v17;
	v20 =	vadd.f32 $1.280000000e+02, v20;
	v21 =	vadd.f32 $1.280000000e+02, v21  }
0xd6: {  	v31 =	vld [tilespmem:s28+$0xC150];
	v22 =	vadd.f32 $1.280000000e+02, v22;
	v2 =	vtrunc.f32 v2;
	v1 =	vtrunc.f32 v1  }
0xd7: {  	v53 =	vld [tilespmem:s28+$0x4100];
	v23 =	vadd.f32 $1.280000000e+02, v23;
	v18 =	vtrunc.f32 v18;
	v20 =	vtrunc.f32 v20  }
0xd8: {  	v26 =	vadd.f32 $1.280000000e+02, v26;
	v21 =	vtrunc.f32 v21;
	v2 =	vcvt.f32.s32 v2  }
0xd9: {  	v19 =	vsub.f32 v24, v19;
	v22 =	vtrunc.f32 v22;
	v1 =	vcvt.f32.s32 v1  }
0xda: {  	v23 =	vtrunc.f32 v23;
	v25 =	vtrunc.f32 v26;
	v26 =	vld [tilespmem:s28+$0xC170];
	v30 =	vmax.f32 v27, $-7.000000000e+00  }
0xdb: {  	v24 =	vld [tilespmem:s28+$0xC120];
	v55 =	vmax.f32 v31, $-7.000000000e+00;
	v18 =	vcvt.f32.s32 v18;
	v20 =	vcvt.f32.s32 v20  }
0xdc: {  	v56 =	vld [tilespmem:s28+$0x4110];
	v27 =	vsub.f32 v53, v27;
	v21 =	vcvt.f32.s32 v21;
	v22 =	vcvt.f32.s32 v22  }
0xdd: {  	v60 =	vld [tilespmem:s28+$0x4170];
	v23 =	vcvt.f32.s32 v23;
	v25 =	vcvt.f32.s32 v25;
	v30 =	vmin.f32 v30, $7.000000000e+00  }
0xde: {  	v19 =	vmul.f32 v19, v19;
	v37 =	vmin.f32 v55, $7.000000000e+00;
	v30 =	vmul.f32 $1.821428490e+01, v30;
	v2 =	vld.idx.msk [tilespmem:v2+s5+$0x0], $0xffff  }
0xdf: {  	v37 =	vmul.f32 $1.821428490e+01, v37;
	v27 =	vmul.f32 v27, v27;
	v6 =	vmax.f32 v26, $-7.000000000e+00;
	v1 =	vld.idx.msk [tilespmem:v1+s5+$0x0], $0xffff  }
0xe0: {  	v57 =	vld [tilespmem:s28+$0x4120];
	v51 =	vmax.f32 v24, $-7.000000000e+00;
	v30 =	vadd.f32 $1.280000000e+02, v30;
	v6 =	vmin.f32 v6, $7.000000000e+00  }
0xe1: {  	v59 =	vld [tilespmem:s28+$0x4130];
	v37 =	vadd.f32 $1.280000000e+02, v37;
	v33 =	vmin.f32 v51, $7.000000000e+00;
	v6 =	vmul.f32 $1.821428490e+01, v6  }
0xe2: {  	v33 =	vmul.f32 $1.821428490e+01, v33;
	v30 =	vtrunc.f32 v30;
	v22 =	vld.idx.msk [tilespmem:v22+s5+$0x0], $0xffff  }
0xe3: {  	v49 =	vtrunc.f32 v37;
	v6 =	vadd.f32 $1.280000000e+02, v6;
	v2 =	vmul.f32 v16, v2;
	v16 =	vld [tilespmem:s28+$0xC110]  }
0xe4: {  	v26 =	vsub.f32 v60, v26;
	v30 =	vcvt.f32.s32 v30;
	v14 =	vmul.f32 v14, v1;
	v1 =	vld [tilespmem:s28+$0xC160]  }
0xe5: {  	v33 =	vadd.f32 $1.280000000e+02, v33;
	v6 =	vtrunc.f32 v6;
	v5 =	vadd.f32 v2, v15;
	v2 =	vld [tilespmem:s28+$0xC130]  }
0xe6: {  	v4 =	vadd.f32 v4, v3;
	v6 =	vcvt.f32.s32 v6;
	v15 =	vmul.f32 v0, v0;
	v0 =	vld [tilespmem:s28+$0xC140]  }
0xe7: {  	v61 =	vld [tilespmem:s28+$0x4140];
	v24 =	vsub.f32 v57, v24;
	v26 =	vmul.f32 v26, v26;
	v33 =	vtrunc.f32 v33  }
0xe8: {  	v63 =	vld [tilespmem:s28+$0x4160];
	v33 =	vcvt.f32.s32 v33;
	v15 =	vmul.f32 v15, v22;
	v50 =	vmax.f32 v16, $-7.000000000e+00  }
0xe9: {  	v62 =	vld [tilespmem:s28+$0x4150];
	v58 =	vmax.f32 v1, $-7.000000000e+00;
	v16 =	vsub.f32 v56, v16;
	v32 =	vmin.f32 v50, $7.000000000e+00  }
0xea: {  	v18 =	vld.idx.msk [tilespmem:v18+s5+$0x0], $0xffff;
	v40 =	vmin.f32 v58, $7.000000000e+00;
	v11 =	vadd.f32 v15, v11;
	v52 =	vmax.f32 v2, $-7.000000000e+00  }
0xeb: {  	v20 =	vld.idx.msk [tilespmem:v20+s5+$0x0], $0xffff;
	v32 =	vmul.f32 $1.821428490e+01, v32;
	v54 =	vmax.f32 v0, $-7.000000000e+00;
	v40 =	vmul.f32 $1.821428490e+01, v40  }
0xec: {  	v6 =	vld.idx.msk [tilespmem:v6+s5+$0x0], $0xffff;
	v2 =	vsub.f32 v59, v2;
	v51 =	vsub.f32 v61, v0;
	v0 =	vmul.f32 v16, v16  }
0xed: {  	v21 =	vld.idx.msk [tilespmem:v21+s5+$0x0], $0xffff;
	s28 =	simm.s32 $0x100;
	v16 =	vsub.f32 v63, v1;
	v1 =	vmul.f32 v24, v24;
	v34 =	vmin.f32 v52, $7.000000000e+00  }
0xee: {  	v39 =	vld [tilespmem:s28+$0xC160];
	v36 =	vmin.f32 v54, $7.000000000e+00;
	v34 =	vmul.f32 $1.821428490e+01, v34;
	v32 =	vadd.f32 $1.280000000e+02, v32  }
0xef: {  	v23 =	vld.idx.msk [tilespmem:v23+s5+$0x0], $0xffff;
	v36 =	vmul.f32 $1.821428490e+01, v36;
	v40 =	vadd.f32 $1.280000000e+02, v40;
	v2 =	vmul.f32 v2, v2  }
0xf0: {  	v30 =	vld.idx.msk [tilespmem:v30+s5+$0x0], $0xffff;
	v3 =	vmul.f32 v51, v51;
	v34 =	vadd.f32 $1.280000000e+02, v34;
	v32 =	vtrunc.f32 v32  }
0xf1: {  	v53 =	vld [tilespmem:s28+$0x4130];
	v36 =	vadd.f32 $1.280000000e+02, v36;
	v50 =	vtrunc.f32 v40;
	v26 =	vmul.f32 v26, v6  }
0xf2: {  	v22 =	vld [tilespmem:s28+$0xC130];
	v6 =	vsub.f32 v62, v31;
	v32 =	vcvt.f32.s32 v32;
	v37 =	vcvt.f32.s32 v50  }
0xf3: {  	v25 =	vld.idx.msk [tilespmem:v25+s5+$0x0], $0xffff;
	v31 =	vmax.f32 v39, $-7.000000000e+00;
	v34 =	vtrunc.f32 v34;
	v48 =	vtrunc.f32 v36  }
0xf4: {  	v24 =	vld [tilespmem:s28+$0xC170];
	v31 =	vmin.f32 v31, $7.000000000e+00;
	v36 =	vcvt.f32.s32 v49;
	v6 =	vmul.f32 v6, v6  }
0xf5: {  	v38 =	vadd.f32 v26, v5;
	v26 =	vld [tilespmem:s28+$0xC100];
	v5 =	vmul.f32 v16, v16;
	v16 =	vmul.f32 v13, v18  }
0xf6: {  	v13 =	vadd.f32 v14, v8;
	v14 =	vld [tilespmem:s28+$0xC110];
	v18 =	vmul.f32 v28, v20;
	v20 =	vmul.f32 v29, v21  }
0xf7: {  	v62 =	vsub.f32 v53, v22;
	v28 =	vld [tilespmem:s28+$0xC120];
	v21 =	vmul.f32 v27, v30;
	v31 =	vmul.f32 $1.821428490e+01, v31  }
0xf8: {  	v29 =	vld [tilespmem:s28+$0xC150];
	v34 =	vcvt.f32.s32 v34;
	v35 =	vcvt.f32.s32 v48;
	v8 =	vadd.f32 v16, v9  }
0xf9: {  	v30 =	vld [tilespmem:s28+$0x4110];
	v16 =	vmul.f32 v17, v23;
	v9 =	vadd.f32 v18, v10;
	v10 =	vadd.f32 v20, v12  }
0xfa: {  	v18 =	vmul.f32 v19, v25;
	v12 =	vmax.f32 v24, $-7.000000000e+00;
	v19 =	vmax.f32 v22, $-7.000000000e+00  }
0xfb: {  	v31 =	vadd.f32 $1.280000000e+02, v31;
	v17 =	vmin.f32 v12, $7.000000000e+00;
	v19 =	vmin.f32 v19, $7.000000000e+00  }
0xfc: {  	v55 =	vld [tilespmem:s28+$0x4140];
	v12 =	vadd.f32 v16, v7;
	v16 =	vmul.f32 $1.821428490e+01, v17;
	v19 =	vmul.f32 $1.821428490e+01, v19  }
0xfd: {  	v23 =	vld [tilespmem:s28+$0xC140];
	v31 =	vtrunc.f32 v31;
	v15 =	vmax.f32 v26, $-7.000000000e+00;
	v17 =	vmax.f32 v28, $-7.000000000e+00  }
0xfe: {  	v25 =	vld [tilespmem:s28+$0x4100];
	v27 =	vmax.f32 v29, $-7.000000000e+00;
	v61 =	vsub.f32 v30, v14;
	v16 =	vadd.f32 $1.280000000e+02, v16  }
0xff: {  	v7 =	vmin.f32 v15, $7.000000000e+00;
	v15 =	vmax.f32 v14, $-7.000000000e+00;
	v17 =	vmin.f32 v17, $7.000000000e+00  }
0x100: {  	v27 =	vmin.f32 v27, $7.000000000e+00;
	v19 =	vadd.f32 $1.280000000e+02, v19;
	v16 =	vtrunc.f32 v16  }
0x101: {  	v7 =	vmul.f32 $1.821428490e+01, v7;
	v15 =	vmin.f32 v15, $7.000000000e+00;
	v16 =	vcvt.f32.s32 v16  }
0x102: {  	v54 =	vld [tilespmem:s28+$0x4170];
	v20 =	vmax.f32 v23, $-7.000000000e+00;
	v17 =	vmul.f32 $1.821428490e+01, v17;
	v27 =	vmul.f32 $1.821428490e+01, v27  }
0x103: {  	v58 =	vsub.f32 v25, v26;
	v26 =	vld.idx.msk [tilespmem:v33+s5+$0x0], $0xffff;
	v33 =	vsub.f32 v55, v23;
	v23 =	vmul.f32 v62, v62  }
0x104: {  	v15 =	vmul.f32 $1.821428490e+01, v15;
	v20 =	vmin.f32 v20, $7.000000000e+00;
	v7 =	vadd.f32 $1.280000000e+02, v7  }
0x105: {  	v56 =	vld [tilespmem:s28+$0x4150];
	v20 =	vmul.f32 $1.821428490e+01, v20;
	v17 =	vadd.f32 $1.280000000e+02, v17;
	v27 =	vadd.f32 $1.280000000e+02, v27  }
0x106: {  	v52 =	vld [tilespmem:s28+$0x4120];
	v59 =	vtrunc.f32 v19;
	v15 =	vadd.f32 $1.280000000e+02, v15;
	v7 =	vtrunc.f32 v7  }
0x107: {  	v20 =	vadd.f32 $1.280000000e+02, v20;
	v17 =	vtrunc.f32 v17;
	v30 =	vtrunc.f32 v27;
	v60 =	vld.idx.msk [tilespmem:v16+s5+$0x0], $0xffff  }
0x108: {  	v57 =	vld [tilespmem:s28+$0x4160];
	v15 =	vtrunc.f32 v15;
	v7 =	vcvt.f32.s32 v7;
	v16 =	vsub.f32 v54, v24  }
0x109: {  	v25 =	vld.idx.msk [tilespmem:v32+s5+$0x0], $0xffff;
	v19 =	vcvt.f32.s32 v17;
	v17 =	vcvt.f32.s32 v59  }
0x10a: {  	v27 =	vld.idx.msk [tilespmem:v34+s5+$0x0], $0xffff;
	v14 =	vtrunc.f32 v20;
	v22 =	vmul.f32 v16, v16  }
0x10b: {  	v34 =	vsub.f32 v56, v29;
	v29 =	vld.idx.msk [tilespmem:v37+s5+$0x0], $0xffff;
	v20 =	vcvt.f32.s32 v15;
	v15 =	vcvt.f32.s32 v30  }
0x10c: {  	v30 =	vld.idx.msk [tilespmem:v36+s5+$0x0], $0xffff;
	v24 =	vsub.f32 v52, v28;
	v16 =	vcvt.f32.s32 v14;
	v63 =	vmul.f32 v22, v60  }
0x10d: {  	v28 =	vld.idx.msk [tilespmem:v35+s5+$0x0], $0xffff;
	v35 =	vsub.f32 v57, v39;
	v14 =	vcvt.f32.s32 v31;
	v31 =	vmul.f32 v58, v58  }
0x10e: {  	s29 =	simm.s32 $0x800;
	s28 =	simm.s32 $0x180;
	v24 =	vmul.f32 v24, v24;
	v32 =	vld.idx.msk [tilespmem:v7+s5+$0x0], $0xffff;
	v22 =	vmul.f32 v61, v61;
	v7 =	vadd.f32 v63, v38  }
.LBB2_5:
0x10f: {  	p0 =	sne.s32 s29, $0xFE00;
	v36 =	vld [tilespmem:s28+$0xC170];
	v33 =	vmul.f32 v33, v33;
	v34 =	vmul.f32 v34, v34;
	v13 =	vadd.f32 v21, v13  }
0x110: {  	v35 =	vmul.f32 v35, v35;
	v21 =	vmul.f32 v0, v25;
	v4 =	vadd.f32 v18, v4;
	v0 =	vmovc v22;
	v37 =	vld [tilespmem:s28+$0xC100]  }
0x111: {  	v18 =	vmul.f32 v1, v26;
	v25 =	vmul.f32 v2, v27;
	v1 =	vmovc v24;
	v2 =	vmov v23;
	v22 =	vld [tilespmem:s28+$0xC110]  }
0x112: {  	v26 =	vmul.f32 v6, v30;
	v24 =	vmul.f32 v3, v28;
	v8 =	vadd.f32 v21, v8;
	v3 =	vmovc v33;
	v23 =	vld [tilespmem:s28+$0xC120]  }
0x113: {  	v9 =	vadd.f32 v18, v9;
	v10 =	vadd.f32 v25, v10;
	v18 =	vmul.f32 v5, v29;
	v6 =	vmovc v34;
	v33 =	vld [tilespmem:s28+$0xC130]  }
0x114: {  	v5 =	vmovc v35;
	v11 =	vadd.f32 v24, v11;
	v21 =	vmul.f32 v31, v32;
	v34 =	vld [tilespmem:s28+$0xC140];
	v25 =	vmax.f32 v36, $-7.000000000e+00  }
0x115: {  	v12 =	vadd.f32 v26, v12;
	v24 =	vmax.f32 v37, $-7.000000000e+00;
	v31 =	vld [tilespmem:s28+$0xC150];
	v25 =	vmin.f32 v25, $7.000000000e+00  }
0x116: {  	v24 =	vmin.f32 v24, $7.000000000e+00;
	v26 =	vmax.f32 v22, $-7.000000000e+00;
	v32 =	vld [tilespmem:s28+$0xC160];
	v25 =	vmul.f32 $1.821428490e+01, v25  }
0x117: {  	v27 =	vld [tilespmem:s28+$0x4100];
	v24 =	vmul.f32 $1.821428490e+01, v24;
	v26 =	vmin.f32 v26, $7.000000000e+00;
	v28 =	vmax.f32 v23, $-7.000000000e+00  }
0x118: {  	v29 =	vld [tilespmem:s28+$0x4110];
	v28 =	vmin.f32 v28, $7.000000000e+00;
	v30 =	vmax.f32 v33, $-7.000000000e+00;
	v25 =	vadd.f32 $1.280000000e+02, v25  }
0x119: {  	v26 =	vmul.f32 $1.821428490e+01, v26;
	v35 =	vld [tilespmem:s28+$0x4120];
	v30 =	vmin.f32 v30, $7.000000000e+00;
	v38 =	vmax.f32 v34, $-7.000000000e+00  }
0x11a: {  	v39 =	vld [tilespmem:s28+$0x4130];
	v38 =	vmin.f32 v38, $7.000000000e+00;
	v40 =	vmax.f32 v31, $-7.000000000e+00;
	v25 =	vtrunc.f32 v25  }
0x11b: {  	v41 =	vld [tilespmem:s28+$0x4140];
	v40 =	vmin.f32 v40, $7.000000000e+00;
	v42 =	vmax.f32 v32, $-7.000000000e+00;
	v43 =	vcvt.f32.s32 v25  }
0x11c: {  	v25 =	vmul.f32 $1.821428490e+01, v28;
	v28 =	vmul.f32 $1.821428490e+01, v30;
	v44 =	vld [tilespmem:s28+$0x4150];
	v30 =	vmin.f32 v42, $7.000000000e+00  }
0x11d: {  	v24 =	vadd.f32 $1.280000000e+02, v24;
	v38 =	vmul.f32 $1.821428490e+01, v38;
	v40 =	vmul.f32 $1.821428490e+01, v40;
	v42 =	vld [tilespmem:s28+$0x4160]  }
0x11e: {  	v26 =	vadd.f32 $1.280000000e+02, v26;
	v45 =	vadd.f32 $1.280000000e+02, v25;
	v30 =	vmul.f32 $1.821428490e+01, v30;
	v46 =	vld [tilespmem:s28+$0x4170]  }
0x11f: {  	v24 =	vtrunc.f32 v24;
	v28 =	vadd.f32 $1.280000000e+02, v28;
	v38 =	vadd.f32 $1.280000000e+02, v38;
	v25 =	vld.idx.msk [tilespmem:v20+s5+$0x0], $0xffff  }
0x120: {  	v40 =	vadd.f32 $1.280000000e+02, v40;
	v20 =	vtrunc.f32 v26;
	v30 =	vadd.f32 $1.280000000e+02, v30;
	v26 =	vld.idx.msk [tilespmem:v19+s5+$0x0], $0xffff  }
0x121: {  	v37 =	vsub.f32 v27, v37;
	v19 =	vtrunc.f32 v45;
	v45 =	vtrunc.f32 v28;
	v43 =	vld.idx.msk [tilespmem:v43+s5+$0x0], $0xffff  }
0x122: {  	v22 =	vsub.f32 v29, v22;
	v38 =	vtrunc.f32 v38;
	v40 =	vtrunc.f32 v40;
	v27 =	vld.idx.msk [tilespmem:v17+s5+$0x0], $0xffff  }
0x123: {  	v24 =	vcvt.f32.s32 v24;
	v47 =	vtrunc.f32 v30;
	v29 =	vsub.f32 v46, v36;
	v28 =	vld.idx.msk [tilespmem:v16+s5+$0x0], $0xffff  }
0x124: {  	v23 =	vsub.f32 v35, v23;
	v20 =	vcvt.f32.s32 v20;
	v19 =	vcvt.f32.s32 v19;
	v30 =	vld.idx.msk [tilespmem:v15+s5+$0x0], $0xffff  }
.Ltmp1:
0x125: {  	v17 =	vcvt.f32.s32 v45;
	v36 =	vsub.f32 v39, v33;
	v35 =	vmul.f32 v29, v29;
	v29 =	vld.idx.msk [tilespmem:v14+s5+$0x0], $0xffff;
	(pc) =	sbr.rel @p0 .LBB2_5-.Ltmp1, $4  }
0x126: {  	v16 =	vcvt.f32.s32 v38;
	v33 =	vsub.f32 v41, v34;
	v15 =	vcvt.f32.s32 v40  }
0x127: {  	v34 =	vsub.f32 v44, v31;
	v14 =	vcvt.f32.s32 v47;
	v38 =	vmul.f32 v35, v43  }
0x128: {  	v22 =	vmul.f32 v22, v22;
	v31 =	vmul.f32 v37, v37;
	v35 =	vsub.f32 v42, v32  }
0x129: {  	s28 =	sshra.s32 s29, $0x2;
	s29 =	sadd.s32 $0x200, s29;
	v32 =	vld.idx.msk [tilespmem:v24+s5+$0x0], $0xffff;
	v24 =	vmul.f32 v23, v23;
	v23 =	vmul.f32 v36, v36;
	v7 =	vadd.f32 v38, v7  }
0x12a: {  	v36 =	vld [tilespmem:s28+$0xC170]  }
0x12b: {  	v54 =	vld [tilespmem:s28+$0xC100]  }
0x12c: {  	v55 =	vld [tilespmem:s28+$0xC110]  }
0x12d: {  	v56 =	vld [tilespmem:s28+$0xC120]  }
0x12e: {  	v33 =	vmul.f32 v33, v33;
	v0 =	vmul.f32 v0, v25;
	v57 =	vld [tilespmem:s28+$0xC140]  }
0x12f: {  	v13 =	vadd.f32 v21, v13;
	v1 =	vmul.f32 v1, v26;
	v2 =	vmul.f32 v2, v27;
	v61 =	vld [tilespmem:s28+$0xC150]  }
0x130: {  	v4 =	vadd.f32 v18, v4;
	v3 =	vmul.f32 v3, v28;
	v6 =	vmul.f32 v6, v30;
	v63 =	vld [tilespmem:s28+$0xC160]  }
0x131: {  	v5 =	vmul.f32 v5, v29;
	v48 =	vld [tilespmem:s28+$0x4100];
	v0 =	vadd.f32 v0, v8;
	v1 =	vadd.f32 v1, v9  }
0x132: {  	v34 =	vmul.f32 v34, v34;
	v20 =	vld.idx.msk [tilespmem:v20+s5+$0x0], $0xffff;
	v2 =	vadd.f32 v2, v10;
	v3 =	vadd.f32 v3, v11  }
0x133: {  	v35 =	vmul.f32 v35, v35;
	v6 =	vadd.f32 v6, v12;
	v4 =	vadd.f32 v5, v4  }
0x134: {  	v59 =	vmul.f32 v31, v32;
	v58 =	vmax.f32 v36, $-7.000000000e+00;
	v60 =	vmax.f32 v54, $-7.000000000e+00  }
0x135: {  	v62 =	vmax.f32 v55, $-7.000000000e+00;
	v47 =	vmax.f32 v56, $-7.000000000e+00;
	v37 =	vmax.f32 v57, $-7.000000000e+00  }
0x136: {  	v8 =	vld [tilespmem:s28+$0xC130];
	v39 =	vmax.f32 v61, $-7.000000000e+00;
	v41 =	vmax.f32 v63, $-7.000000000e+00;
	v21 =	vsub.f32 v48, v54  }
0x137: {  	v20 =	vmul.f32 v22, v20;
	v10 =	vmin.f32 v58, $7.000000000e+00;
	v11 =	vmin.f32 v60, $7.000000000e+00  }
0x138: {  	v12 =	vmin.f32 v62, $7.000000000e+00;
	v29 =	vmin.f32 v47, $7.000000000e+00;
	v37 =	vmin.f32 v37, $7.000000000e+00  }
0x139: {  	v50 =	vld [tilespmem:s28+$0x4110];
	v39 =	vmin.f32 v39, $7.000000000e+00;
	v10 =	vmul.f32 $1.821428490e+01, v10;
	v11 =	vmul.f32 $1.821428490e+01, v11  }
0x13a: {  	v38 =	vld [tilespmem:s28+$0x4120];
	v41 =	vmin.f32 v41, $7.000000000e+00;
	v12 =	vmul.f32 $1.821428490e+01, v12;
	v29 =	vmul.f32 $1.821428490e+01, v29  }
0x13b: {  	v40 =	vld [tilespmem:s28+$0x4130];
	v49 =	vmax.f32 v8, $-7.000000000e+00;
	v37 =	vmul.f32 $1.821428490e+01, v37;
	v39 =	vmul.f32 $1.821428490e+01, v39  }
0x13c: {  	v42 =	vld [tilespmem:s28+$0x4140];
	v31 =	vmin.f32 v49, $7.000000000e+00;
	v10 =	vadd.f32 $1.280000000e+02, v10;
	v11 =	vadd.f32 $1.280000000e+02, v11  }
0x13d: {  	v43 =	vld [tilespmem:s28+$0x4150];
	v41 =	vmul.f32 $1.821428490e+01, v41;
	v31 =	vmul.f32 $1.821428490e+01, v31;
	v12 =	vadd.f32 $1.280000000e+02, v12  }
0x13e: {  	v44 =	vld [tilespmem:s28+$0x4170];
	v29 =	vadd.f32 $1.280000000e+02, v29;
	v10 =	vtrunc.f32 v10;
	v11 =	vtrunc.f32 v11  }
0x13f: {  	v19 =	vld.idx.msk [tilespmem:v19+s5+$0x0], $0xffff;
	v37 =	vadd.f32 $1.280000000e+02, v37;
	v12 =	vtrunc.f32 v12;
	v10 =	vcvt.f32.s32 v10  }
0x140: {  	v17 =	vld.idx.msk [tilespmem:v17+s5+$0x0], $0xffff;
	v39 =	vadd.f32 $1.280000000e+02, v39;
	v29 =	vtrunc.f32 v29;
	v11 =	vcvt.f32.s32 v11  }
0x141: {  	v16 =	vld.idx.msk [tilespmem:v16+s5+$0x0], $0xffff;
	v41 =	vadd.f32 $1.280000000e+02, v41;
	v51 =	vtrunc.f32 v37;
	v12 =	vcvt.f32.s32 v12  }
0x142: {  	v15 =	vld.idx.msk [tilespmem:v15+s5+$0x0], $0xffff;
	v31 =	vadd.f32 $1.280000000e+02, v31;
	v52 =	vtrunc.f32 v39;
	v29 =	vcvt.f32.s32 v29  }
0x143: {  	v45 =	vld [tilespmem:s28+$0x4160];
	v36 =	vsub.f32 v44, v36;
	v53 =	vtrunc.f32 v41;
	v37 =	vcvt.f32.s32 v52  }
0x144: {  	v14 =	vld.idx.msk [tilespmem:v14+s5+$0x0], $0xffff;
	v18 =	vsub.f32 v50, v55;
	v32 =	vcvt.f32.s32 v53;
	v31 =	vtrunc.f32 v31  }
0x145: {  	v25 =	vsub.f32 v38, v56;
	v19 =	vmul.f32 v24, v19;
	v31 =	vcvt.f32.s32 v31;
	v10 =	vld.idx.msk [tilespmem:v10+s5+$0x0], $0xffff  }
0x146: {  	v9 =	vsub.f32 v42, v57;
	v5 =	vmul.f32 v23, v17;
	v30 =	vcvt.f32.s32 v51;
	v11 =	vld.idx.msk [tilespmem:v11+s5+$0x0], $0xffff  }
0x147: {  	v27 =	vsub.f32 v43, v61;
	v16 =	vmul.f32 v33, v16;
	v15 =	vmul.f32 v34, v15;
	v12 =	vld.idx.msk [tilespmem:v12+s5+$0x0], $0xffff  }
0x148: {  	v28 =	vsub.f32 v45, v63;
	v36 =	vmul.f32 v36, v36;
	v21 =	vmul.f32 v21, v21;
	v29 =	vld.idx.msk [tilespmem:v29+s5+$0x0], $0xffff  }
0x149: {  	v13 =	vadd.f32 v59, v13;
	v18 =	vmul.f32 v18, v18;
	v25 =	vmul.f32 v25, v25;
	v58 =	vld.idx.msk [tilespmem:v37+s5+$0x0], $0xffff  }
0x14a: {  	v8 =	vsub.f32 v40, v8;
	v9 =	vmul.f32 v9, v9;
	v54 =	vmul.f32 v27, v27;
	v59 =	vld.idx.msk [tilespmem:v32+s5+$0x0], $0xffff  }
0x14b: {  	v56 =	vmul.f32 v28, v28;
	v0 =	vadd.f32 v20, v0;
	v1 =	vadd.f32 v19, v1;
	v55 =	vld.idx.msk [tilespmem:v31+s5+$0x0], $0xffff  }
0x14c: {  	v2 =	vadd.f32 v5, v2;
	v5 =	vmul.f32 v35, v14;
	v8 =	vmul.f32 v8, v8;
	v57 =	vld.idx.msk [tilespmem:v30+s5+$0x0], $0xffff  }
0x14d: {  	s25 =	sadd.s32 $0x1, s25;
	v60 =	vadd.f32 v16, v3;
	v10 =	vmul.f32 v36, v10;
	v11 =	vmul.f32 v21, v11  }
0x14e: {  	s26 =	sadd.s32 s26, s11;
	p0 =	sne.s32 s25, $0xF;
	v61 =	vadd.f32 v5, v4;
	v3 =	vmul.f32 v18, v12;
	v4 =	vmul.f32 v25, v29  }
.Ltmp2:
0x14f: {  	s26 =	sshrl.u32 s26, $0x3;
	v15 =	vadd.f32 v15, v6;
	v62 =	vmul.f32 v54, v58;
	v63 =	vmul.f32 v56, v59;
	(pc) =	sbr.rel @p0 .LBB2_2-.Ltmp2, $4  }
0x150: {  	s31 =	sadd.s32 s1, s26;
	v7 =	vadd.f32 v10, v7;
	v6 =	vadd.f32 v11, v13;
	v8 =	vmul.f32 v8, v55  }
0x151: {  	[tilespmem:s17], [sflag:$0x2] =	stream.linear.gather [hbm4b:s31+s5], $0x4000, $0x38;
	v5 =	vadd.f32 v3, v0;
	v0 =	vmul.f32 v9, v57;
	v4 =	vadd.f32 v4, v1;
	[tilespmem:$0x10180] =	vst v63  }
0x152: {  	s26 =	sadd.s32 s2, s26;
	v1 =	vadd.f32 v62, v15;
	v3 =	vadd.f32 v8, v2  }
0x153: {  	[tilespmem:s18], [sflag:$0x4] =	stream.linear.gather [hbm4b:s26+s5], $0x4000, $0x38;
	v2 =	vadd.f32 v0, v60;
	v0 =	vadd.f32 v63, v61;
	[tilespmem:$0x10180] =	vst v63  }
0x154: {  	_ =	swait.ge [sflag:s19], $0x4000  }
0x155: {  	[sflag:s19] =	ssyncset.done $0x0  }
0x156: {  	[sflag:s19] =	ssyncadd.s32 $0xFFFFC000  }
0x157: {  	_ =	swait.ge [sflag:s20], $0x4000  }
0x158: {  	[sflag:s20] =	ssyncset.done $0x0  }
0x159: {  	s25 =	simm.s32 $0x0;
	[sflag:s20] =	ssyncadd.s32 $0xFFFFC000  }
0x15a: {  	v8 =	vld [tilespmem:s25+$0x8170]  }
0x15b: {  	v9 =	vld [tilespmem:s25+$0x8100]  }
0x15c: {  	v10 =	vld [tilespmem:s25+$0x8110]  }
0x15d: {  	v11 =	vld [tilespmem:s25+$0x8120]  }
0x15e: {  	v12 =	vld [tilespmem:s25+$0x8130]  }
0x15f: {  	v13 =	vld [tilespmem:s25+$0x8140]  }
0x160: {  	v16 =	vld [tilespmem:s25+$0x8150]  }
0x161: {  	v18 =	vld [tilespmem:s25+$0x8160]  }
0x162: {  	v23 =	vld [tilespmem:s25+$0x100]  }
0x163: {  	v24 =	vld [tilespmem:s25+$0x110]  }
0x164: {  	v26 =	vld [tilespmem:s25+$0x120]  }
0x165: {  	v27 =	vld [tilespmem:s25+$0x170];
	_ =	sdelay $0x1  }
0x166: {  	v14 =	vmax.f32 v8, $-7.000000000e+00;
	v15 =	vmax.f32 v9, $-7.000000000e+00;
	v17 =	vmax.f32 v10, $-7.000000000e+00  }
0x167: {  	v19 =	vmax.f32 v11, $-7.000000000e+00;
	v20 =	vmax.f32 v12, $-7.000000000e+00;
	v21 =	vmax.f32 v13, $-7.000000000e+00  }
0x168: {  	v22 =	vmax.f32 v16, $-7.000000000e+00;
	v9 =	vsub.f32 v23, v9;
	v10 =	vsub.f32 v24, v10  }
0x169: {  	v25 =	vmax.f32 v18, $-7.000000000e+00;
	v8 =	vsub.f32 v27, v8;
	v11 =	vsub.f32 v26, v11  }
0x16a: {  	v28 =	vld [tilespmem:s25+$0x130];
	v14 =	vmin.f32 v14, $7.000000000e+00;
	v15 =	vmin.f32 v15, $7.000000000e+00;
	v17 =	vmin.f32 v17, $7.000000000e+00  }
0x16b: {  	v29 =	vld [tilespmem:s25+$0x140];
	v19 =	vmin.f32 v19, $7.000000000e+00;
	v20 =	vmin.f32 v20, $7.000000000e+00;
	v14 =	vmul.f32 $1.821428490e+01, v14  }
0x16c: {  	v30 =	vld [tilespmem:s25+$0x150];
	v21 =	vmin.f32 v21, $7.000000000e+00;
	v15 =	vmul.f32 $1.821428490e+01, v15;
	v17 =	vmul.f32 $1.821428490e+01, v17  }
0x16d: {  	v22 =	vmin.f32 v22, $7.000000000e+00;
	v19 =	vmul.f32 $1.821428490e+01, v19;
	v20 =	vmul.f32 $1.821428490e+01, v20  }
0x16e: {  	v25 =	vmin.f32 v25, $7.000000000e+00;
	v21 =	vmul.f32 $1.821428490e+01, v21;
	v22 =	vmul.f32 $1.821428490e+01, v22  }
0x16f: {  	v12 =	vsub.f32 v28, v12;
	v25 =	vmul.f32 $1.821428490e+01, v25;
	v8 =	vmul.f32 v8, v8  }
0x170: {  	s29 =	simm.s32 $0x80;
	v13 =	vsub.f32 v29, v13;
	v9 =	vmul.f32 v9, v9;
	v10 =	vmul.f32 v10, v10  }
0x171: {  	v34 =	vld [tilespmem:s29+$0x100];
	v16 =	vsub.f32 v30, v16;
	v27 =	vmul.f32 v11, v11;
	v28 =	vmul.f32 v12, v12  }
0x172: {  	v23 =	vld [tilespmem:s25+$0x160];
	v29 =	vmul.f32 v13, v13;
	v14 =	vadd.f32 $1.280000000e+02, v14;
	v15 =	vadd.f32 $1.280000000e+02, v15  }
0x173: {  	v26 =	vld [tilespmem:s29+$0x8100];
	v16 =	vmul.f32 v16, v16;
	v17 =	vadd.f32 $1.280000000e+02, v17;
	v19 =	vadd.f32 $1.280000000e+02, v19  }
0x174: {  	v30 =	vld [tilespmem:s29+$0x8150];
	v20 =	vadd.f32 $1.280000000e+02, v20;
	v21 =	vadd.f32 $1.280000000e+02, v21;
	v14 =	vtrunc.f32 v14  }
0x175: {  	v37 =	vld [tilespmem:s29+$0x110];
	v22 =	vadd.f32 $1.280000000e+02, v22;
	v15 =	vtrunc.f32 v15;
	v17 =	vtrunc.f32 v17  }
0x176: {  	v38 =	vld [tilespmem:s29+$0x120];
	v25 =	vadd.f32 $1.280000000e+02, v25;
	v19 =	vtrunc.f32 v19;
	v20 =	vtrunc.f32 v20  }
0x177: {  	v40 =	vld [tilespmem:s29+$0x130];
	v18 =	vsub.f32 v23, v18;
	v21 =	vtrunc.f32 v21;
	v22 =	vtrunc.f32 v22  }
0x178: {  	v11 =	vld [tilespmem:s29+$0x8140];
	v13 =	vmax.f32 v26, $-7.000000000e+00;
	v24 =	vtrunc.f32 v25;
	v14 =	vcvt.f32.s32 v14  }
0x179: {  	v42 =	vld [tilespmem:s29+$0x140];
	v36 =	vmax.f32 v30, $-7.000000000e+00;
	v15 =	vcvt.f32.s32 v15;
	v17 =	vcvt.f32.s32 v17  }
0x17a: {  	v23 =	vld [tilespmem:s29+$0x8120];
	v26 =	vsub.f32 v34, v26;
	v19 =	vcvt.f32.s32 v19;
	v20 =	vcvt.f32.s32 v20  }
0x17b: {  	v25 =	vld [tilespmem:s29+$0x8170];
	v13 =	vmin.f32 v13, $7.000000000e+00;
	v21 =	vcvt.f32.s32 v21;
	v22 =	vcvt.f32.s32 v22  }
0x17c: {  	v41 =	vld [tilespmem:s29+$0x170];
	v36 =	vmin.f32 v36, $7.000000000e+00;
	v24 =	vcvt.f32.s32 v24;
	v18 =	vmul.f32 v18, v18  }
0x17d: {  	v43 =	vld [tilespmem:s29+$0x150];
	v13 =	vmul.f32 $1.821428490e+01, v13;
	v35 =	vmax.f32 v11, $-7.000000000e+00;
	v36 =	vmul.f32 $1.821428490e+01, v36  }
0x17e: {  	v44 =	vld [tilespmem:s29+$0x160];
	v11 =	vsub.f32 v42, v11;
	v26 =	vmul.f32 v26, v26;
	v35 =	vmin.f32 v35, $7.000000000e+00  }
0x17f: {  	v13 =	vadd.f32 $1.280000000e+02, v13;
	v35 =	vmul.f32 $1.821428490e+01, v35;
	v36 =	vadd.f32 $1.280000000e+02, v36;
	v14 =	vld.idx.msk [tilespmem:v14+s5+$0x0], $0xffff  }
0x180: {  	v11 =	vmul.f32 v11, v11;
	v32 =	vmax.f32 v23, $-7.000000000e+00;
	v12 =	vmax.f32 v25, $-7.000000000e+00;
	v15 =	vld.idx.msk [tilespmem:v15+s5+$0x0], $0xffff  }
0x181: {  	v32 =	vmin.f32 v32, $7.000000000e+00;
	v13 =	vtrunc.f32 v13;
	v35 =	vadd.f32 $1.280000000e+02, v35;
	v17 =	vld.idx.msk [tilespmem:v17+s5+$0x0], $0xffff  }
0x182: {  	v46 =	vtrunc.f32 v36;
	v12 =	vmin.f32 v12, $7.000000000e+00;
	v32 =	vmul.f32 $1.821428490e+01, v32;
	v19 =	vld.idx.msk [tilespmem:v19+s5+$0x0], $0xffff  }
0x183: {  	v25 =	vsub.f32 v41, v25;
	v47 =	vcvt.f32.s32 v13;
	v12 =	vmul.f32 $1.821428490e+01, v12;
	v20 =	vld.idx.msk [tilespmem:v20+s5+$0x0], $0xffff  }
0x184: {  	v50 =	vcvt.f32.s32 v46;
	v45 =	vtrunc.f32 v35;
	v21 =	vld.idx.msk [tilespmem:v21+s5+$0x0], $0xffff;
	v32 =	vadd.f32 $1.280000000e+02, v32  }
0x185: {  	v25 =	vmul.f32 v25, v25;
	v22 =	vld.idx.msk [tilespmem:v22+s5+$0x0], $0xffff;
	v34 =	vcvt.f32.s32 v45;
	v12 =	vadd.f32 $1.280000000e+02, v12  }
0x186: {  	v32 =	vtrunc.f32 v32;
	v9 =	vmul.f32 v9, v15;
	v15 =	vld [tilespmem:s29+$0x8160]  }
0x187: {  	v24 =	vld.idx.msk [tilespmem:v24+s5+$0x0], $0xffff;
	v12 =	vtrunc.f32 v12;
	v48 =	vcvt.f32.s32 v32  }
0x188: {  	v30 =	vsub.f32 v43, v30;
	v8 =	vmul.f32 v8, v14;
	v14 =	vld [tilespmem:s29+$0x8110];
	v12 =	vcvt.f32.s32 v12  }
0x189: {  	s31 =	simm.s32 $0x100;
	v23 =	vsub.f32 v38, v23;
	v52 =	vld.idx.msk [tilespmem:v47+s5+$0x0], $0xffff;
	v10 =	vmul.f32 v10, v17;
	v17 =	vmul.f32 v28, v20  }
0x18a: {  	v20 =	vmul.f32 v29, v21;
	v16 =	vmul.f32 v16, v22;
	v22 =	vld [tilespmem:s31+$0x8130];
	v7 =	vadd.f32 v8, v7  }
0x18b: {  	v28 =	vld [tilespmem:s31+$0x8160];
	v6 =	vadd.f32 v9, v6;
	v9 =	vmul.f32 v27, v19;
	v39 =	vmax.f32 v15, $-7.000000000e+00  }
0x18c: {  	v57 =	vld [tilespmem:s31+$0x130];
	v5 =	vadd.f32 v10, v5;
	v3 =	vadd.f32 v17, v3;
	v39 =	vmin.f32 v39, $7.000000000e+00  }
0x18d: {  	v8 =	vld [tilespmem:s29+$0x8130];
	v2 =	vadd.f32 v20, v2;
	v1 =	vadd.f32 v16, v1;
	v39 =	vmul.f32 $1.821428490e+01, v39  }
0x18e: {  	v19 =	vld [tilespmem:s31+$0x8120];
	v4 =	vadd.f32 v9, v4;
	v31 =	vmax.f32 v14, $-7.000000000e+00;
	v14 =	vsub.f32 v37, v14  }
0x18f: {  	v17 =	vld [tilespmem:s31+$0x8140];
	v9 =	vmul.f32 v18, v24;
	v15 =	vsub.f32 v44, v15;
	v39 =	vadd.f32 $1.280000000e+02, v39  }
0x190: {  	v56 =	vld [tilespmem:s31+$0x120];
	v10 =	vmul.f32 v26, v52;
	v26 =	vmax.f32 v22, $-7.000000000e+00;
	v55 =	vmax.f32 v28, $-7.000000000e+00  }
0x191: {  	v62 =	vsub.f32 v57, v22;
	v31 =	vmin.f32 v31, $7.000000000e+00;
	v13 =	vtrunc.f32 v39  }
0x192: {  	v12 =	vld.idx.msk [tilespmem:v12+s5+$0x0], $0xffff;
	v26 =	vmin.f32 v26, $7.000000000e+00;
	v31 =	vmul.f32 $1.821428490e+01, v31;
	v51 =	vcvt.f32.s32 v13  }
0x193: {  	v33 =	vmax.f32 v8, $-7.000000000e+00;
	v13 =	vmul.f32 v14, v14;
	v14 =	vmul.f32 v23, v23;
	v23 =	vld [tilespmem:s31+$0x8170]  }
0x194: {  	v8 =	vsub.f32 v40, v8;
	v21 =	vmax.f32 v19, $-7.000000000e+00;
	v27 =	vmax.f32 v17, $-7.000000000e+00  }
0x195: {  	v26 =	vmul.f32 $1.821428490e+01, v26;
	v61 =	vsub.f32 v56, v19;
	v33 =	vmin.f32 v33, $7.000000000e+00  }
0x196: {  	v24 =	vld [tilespmem:s31+$0x8150];
	v21 =	vmin.f32 v21, $7.000000000e+00;
	v27 =	vmin.f32 v27, $7.000000000e+00;
	v33 =	vmul.f32 $1.821428490e+01, v33  }
0x197: {  	v31 =	vadd.f32 $1.280000000e+02, v31;
	v21 =	vmul.f32 $1.821428490e+01, v21;
	v27 =	vmul.f32 $1.821428490e+01, v27  }
0x198: {  	v26 =	vadd.f32 $1.280000000e+02, v26;
	v25 =	vmul.f32 v25, v12;
	v18 =	vmax.f32 v23, $-7.000000000e+00  }
0x199: {  	v33 =	vadd.f32 $1.280000000e+02, v33;
	v31 =	vtrunc.f32 v31;
	v18 =	vmin.f32 v18, $7.000000000e+00  }
0x19a: {  	v12 =	vmul.f32 v8, v8;
	v53 =	vadd.f32 v25, v7;
	v25 =	vld [tilespmem:s31+$0x8100];
	v18 =	vmul.f32 $1.821428490e+01, v18  }
0x19b: {  	v8 =	vmul.f32 v30, v30;
	v30 =	vmax.f32 v24, $-7.000000000e+00;
	v27 =	vadd.f32 $1.280000000e+02, v27  }
0x19c: {  	v26 =	vtrunc.f32 v26;
	v7 =	vmul.f32 v15, v15;
	v15 =	vld [tilespmem:s31+$0x8110];
	v18 =	vadd.f32 $1.280000000e+02, v18  }
0x19d: {  	v31 =	vcvt.f32.s32 v31;
	v30 =	vmin.f32 v30, $7.000000000e+00;
	v33 =	vtrunc.f32 v33  }
0x19e: {  	v58 =	vld [tilespmem:s31+$0x170];
	v21 =	vadd.f32 $1.280000000e+02, v21;
	v30 =	vmul.f32 $1.821428490e+01, v30;
	v18 =	vtrunc.f32 v18  }
0x19f: {  	v29 =	vld [tilespmem:s31+$0x100];
	v27 =	vtrunc.f32 v27;
	v20 =	vmax.f32 v25, $-7.000000000e+00;
	v18 =	vcvt.f32.s32 v18  }
0x1a0: {  	v54 =	vld [tilespmem:s31+$0x110];
	v49 =	vcvt.f32.s32 v33;
	v33 =	vmin.f32 v55, $7.000000000e+00;
	v16 =	vmin.f32 v20, $7.000000000e+00  }
0x1a1: {  	v30 =	vadd.f32 $1.280000000e+02, v30;
	v20 =	vmax.f32 v15, $-7.000000000e+00;
	v16 =	vmul.f32 $1.821428490e+01, v16  }
0x1a2: {  	v59 =	vld [tilespmem:s31+$0x140];
	v19 =	vcvt.f32.s32 v27;
	v33 =	vmul.f32 $1.821428490e+01, v33;
	v20 =	vmin.f32 v20, $7.000000000e+00  }
0x1a3: {  	v60 =	vld [tilespmem:s31+$0x150];
	v30 =	vtrunc.f32 v30;
	v20 =	vmul.f32 $1.821428490e+01, v20;
	v16 =	vadd.f32 $1.280000000e+02, v16  }
0x1a4: {  	v45 =	vld [tilespmem:s31+$0x160];
	v23 =	vsub.f32 v58, v23;
	v25 =	vsub.f32 v29, v25;
	v29 =	vtrunc.f32 v21  }
0x1a5: {  	v15 =	vsub.f32 v54, v15;
	v20 =	vadd.f32 $1.280000000e+02, v20;
	v16 =	vtrunc.f32 v16;
	v46 =	vld.idx.msk [tilespmem:v18+s5+$0x0], $0xffff  }
0x1a6: {  	v34 =	vld.idx.msk [tilespmem:v34+s5+$0x0], $0xffff;
	v33 =	vadd.f32 $1.280000000e+02, v33;
	v22 =	vmul.f32 v23, v23;
	v47 =	vcvt.f32.s32 v16  }
0x1a7: {  	v27 =	vld.idx.msk [tilespmem:v50+s5+$0x0], $0xffff;
	v23 =	vmul.f32 v15, v15;
	v20 =	vtrunc.f32 v20  }
0x1a8: {  	v32 =	vld.idx.msk [tilespmem:v31+s5+$0x0], $0xffff;
	v16 =	vtrunc.f32 v33;
	v21 =	vcvt.f32.s32 v20  }
0x1a9: {  	v35 =	vld.idx.msk [tilespmem:v49+s5+$0x0], $0xffff;
	v20 =	vcvt.f32.s32 v29;
	v29 =	vsub.f32 v59, v17;
	v17 =	vcvt.f32.s32 v30  }
0x1aa: {  	v31 =	vsub.f32 v45, v28;
	v33 =	vld.idx.msk [tilespmem:v48+s5+$0x0], $0xffff;
	v16 =	vcvt.f32.s32 v16;
	v63 =	vmul.f32 v22, v46  }
0x1ab: {  	v30 =	vsub.f32 v60, v24;
	v24 =	vmul.f32 v62, v62;
	v18 =	vcvt.f32.s32 v26;
	v26 =	vld.idx.msk [tilespmem:v51+s5+$0x0], $0xffff  }
0x1ac: {  	s26 =	simm.s32 $0x800;
	s25 =	simm.s32 $0x180;
	v28 =	vld.idx.msk [tilespmem:v47+s5+$0x0], $0xffff;
	v22 =	vmul.f32 v25, v25;
	v25 =	vmul.f32 v61, v61;
	v15 =	vadd.f32 v63, v53  }
.LBB2_8:
0x1ad: {  	p0 =	sne.s32 s26, $0xFE00;
	v36 =	vld [tilespmem:s25+$0x8170];
	v29 =	vmul.f32 v29, v29;
	v30 =	vmul.f32 v30, v30;
	v6 =	vadd.f32 v10, v6  }
0x1ae: {  	v31 =	vmul.f32 v31, v31;
	v10 =	vmul.f32 v13, v32;
	v0 =	vadd.f32 v9, v0;
	v13 =	vmovc v23;
	v37 =	vld [tilespmem:s25+$0x8100]  }
0x1af: {  	v9 =	vmul.f32 v14, v33;
	v32 =	vmul.f32 v12, v35;
	v14 =	vmovc v25;
	v12 =	vmov v24;
	v23 =	vld [tilespmem:s25+$0x8110]  }
0x1b0: {  	v27 =	vmul.f32 v8, v27;
	v25 =	vmul.f32 v11, v34;
	v5 =	vadd.f32 v10, v5;
	v11 =	vmovc v29;
	v24 =	vld [tilespmem:s25+$0x8120]  }
0x1b1: {  	v4 =	vadd.f32 v9, v4;
	v3 =	vadd.f32 v32, v3;
	v9 =	vmul.f32 v7, v26;
	v8 =	vmovc v30;
	v29 =	vld [tilespmem:s25+$0x8130]  }
0x1b2: {  	v7 =	vmovc v31;
	v2 =	vadd.f32 v25, v2;
	v10 =	vmul.f32 v22, v28;
	v30 =	vld [tilespmem:s25+$0x8140];
	v26 =	vmax.f32 v36, $-7.000000000e+00  }
0x1b3: {  	v1 =	vadd.f32 v27, v1;
	v22 =	vmax.f32 v37, $-7.000000000e+00;
	v25 =	vld [tilespmem:s25+$0x8150];
	v26 =	vmin.f32 v26, $7.000000000e+00  }
0x1b4: {  	v22 =	vmin.f32 v22, $7.000000000e+00;
	v27 =	vmax.f32 v23, $-7.000000000e+00;
	v28 =	vld [tilespmem:s25+$0x8160];
	v26 =	vmul.f32 $1.821428490e+01, v26  }
0x1b5: {  	v31 =	vld [tilespmem:s25+$0x100];
	v22 =	vmul.f32 $1.821428490e+01, v22;
	v27 =	vmin.f32 v27, $7.000000000e+00;
	v32 =	vmax.f32 v24, $-7.000000000e+00  }
0x1b6: {  	v34 =	vld [tilespmem:s25+$0x110];
	v32 =	vmin.f32 v32, $7.000000000e+00;
	v33 =	vmax.f32 v29, $-7.000000000e+00;
	v26 =	vadd.f32 $1.280000000e+02, v26  }
0x1b7: {  	v27 =	vmul.f32 $1.821428490e+01, v27;
	v38 =	vld [tilespmem:s25+$0x120];
	v33 =	vmin.f32 v33, $7.000000000e+00;
	v35 =	vmax.f32 v30, $-7.000000000e+00  }
0x1b8: {  	v39 =	vld [tilespmem:s25+$0x130];
	v35 =	vmin.f32 v35, $7.000000000e+00;
	v40 =	vmax.f32 v25, $-7.000000000e+00;
	v26 =	vtrunc.f32 v26  }
0x1b9: {  	v41 =	vld [tilespmem:s25+$0x140];
	v40 =	vmin.f32 v40, $7.000000000e+00;
	v42 =	vmax.f32 v28, $-7.000000000e+00;
	v26 =	vcvt.f32.s32 v26  }
0x1ba: {  	v32 =	vmul.f32 $1.821428490e+01, v32;
	v33 =	vmul.f32 $1.821428490e+01, v33;
	v43 =	vld [tilespmem:s25+$0x150];
	v42 =	vmin.f32 v42, $7.000000000e+00  }
0x1bb: {  	v22 =	vadd.f32 $1.280000000e+02, v22;
	v35 =	vmul.f32 $1.821428490e+01, v35;
	v40 =	vmul.f32 $1.821428490e+01, v40;
	v44 =	vld [tilespmem:s25+$0x160]  }
0x1bc: {  	v27 =	vadd.f32 $1.280000000e+02, v27;
	v45 =	vadd.f32 $1.280000000e+02, v32;
	v42 =	vmul.f32 $1.821428490e+01, v42;
	v46 =	vld [tilespmem:s25+$0x170]  }
0x1bd: {  	v22 =	vtrunc.f32 v22;
	v47 =	vadd.f32 $1.280000000e+02, v33;
	v35 =	vadd.f32 $1.280000000e+02, v35;
	v32 =	vld.idx.msk [tilespmem:v21+s5+$0x0], $0xffff  }
0x1be: {  	v21 =	vtrunc.f32 v27;
	v27 =	vadd.f32 $1.280000000e+02, v40;
	v40 =	vadd.f32 $1.280000000e+02, v42;
	v33 =	vld.idx.msk [tilespmem:v20+s5+$0x0], $0xffff  }
0x1bf: {  	v31 =	vsub.f32 v31, v37;
	v37 =	vtrunc.f32 v47;
	v20 =	vtrunc.f32 v45;
	v42 =	vld.idx.msk [tilespmem:v26+s5+$0x0], $0xffff  }
0x1c0: {  	v23 =	vsub.f32 v34, v23;
	v45 =	vtrunc.f32 v35;
	v47 =	vtrunc.f32 v27;
	v35 =	vld.idx.msk [tilespmem:v18+s5+$0x0], $0xffff  }
0x1c1: {  	v48 =	vcvt.f32.s32 v22;
	v22 =	vtrunc.f32 v40;
	v26 =	vsub.f32 v46, v36;
	v34 =	vld.idx.msk [tilespmem:v19+s5+$0x0], $0xffff  }
0x1c2: {  	v24 =	vsub.f32 v38, v24;
	v21 =	vcvt.f32.s32 v21;
	v20 =	vcvt.f32.s32 v20;
	v27 =	vld.idx.msk [tilespmem:v17+s5+$0x0], $0xffff  }
.Ltmp3:
0x1c3: {  	v18 =	vcvt.f32.s32 v37;
	v36 =	vsub.f32 v39, v29;
	v37 =	vmul.f32 v26, v26;
	v26 =	vld.idx.msk [tilespmem:v16+s5+$0x0], $0xffff;
	(pc) =	sbr.rel @p0 .LBB2_8-.Ltmp3, $4  }
0x1c4: {  	v19 =	vcvt.f32.s32 v45;
	v29 =	vsub.f32 v41, v30;
	v17 =	vcvt.f32.s32 v47  }
0x1c5: {  	v30 =	vsub.f32 v43, v25;
	v16 =	vcvt.f32.s32 v22;
	v37 =	vmul.f32 v37, v42  }
0x1c6: {  	v23 =	vmul.f32 v23, v23;
	v22 =	vmul.f32 v31, v31;
	v31 =	vsub.f32 v44, v28  }
0x1c7: {  	s25 =	sshra.s32 s26, $0x2;
	s26 =	sadd.s32 $0x200, s26;
	v25 =	vmul.f32 v24, v24;
	v24 =	vmul.f32 v36, v36;
	v28 =	vld.idx.msk [tilespmem:v48+s5+$0x0], $0xffff;
	v15 =	vadd.f32 v37, v15  }
0x1c8: {  	v36 =	vld [tilespmem:s25+$0x8170]  }
0x1c9: {  	v37 =	vld [tilespmem:s25+$0x8100]  }
0x1ca: {  	v38 =	vld [tilespmem:s25+$0x8110]  }
0x1cb: {  	v39 =	vld [tilespmem:s25+$0x8120]  }
0x1cc: {  	v40 =	vld [tilespmem:s25+$0x8130]  }
0x1cd: {  	v60 =	vld [tilespmem:s25+$0x8140]  }
0x1ce: {  	v42 =	vld [tilespmem:s25+$0x8150]  }
0x1cf: {  	v62 =	vld [tilespmem:s25+$0x8160]  }
0x1d0: {  	v13 =	vmul.f32 v13, v32;
	v14 =	vmul.f32 v14, v33  }
0x1d1: {  	v12 =	vmul.f32 v12, v35;
	v11 =	vmul.f32 v11, v34;
	v41 =	vmax.f32 v36, $-7.000000000e+00  }
0x1d2: {  	v61 =	vmax.f32 v37, $-7.000000000e+00;
	v63 =	vmax.f32 v38, $-7.000000000e+00;
	v44 =	vmax.f32 v39, $-7.000000000e+00  }
0x1d3: {  	v43 =	vld [tilespmem:s25+$0x100];
	v46 =	vmax.f32 v40, $-7.000000000e+00;
	v48 =	vmax.f32 v60, $-7.000000000e+00;
	v50 =	vmax.f32 v42, $-7.000000000e+00  }
0x1d4: {  	v45 =	vld [tilespmem:s25+$0x110];
	v52 =	vmax.f32 v62, $-7.000000000e+00;
	v41 =	vmin.f32 v41, $7.000000000e+00;
	v33 =	vmin.f32 v61, $7.000000000e+00  }
0x1d5: {  	v47 =	vld [tilespmem:s25+$0x120];
	v34 =	vmin.f32 v63, $7.000000000e+00;
	v44 =	vmin.f32 v44, $7.000000000e+00;
	v46 =	vmin.f32 v46, $7.000000000e+00  }
0x1d6: {  	v49 =	vld [tilespmem:s25+$0x130];
	v48 =	vmin.f32 v48, $7.000000000e+00;
	v50 =	vmin.f32 v50, $7.000000000e+00;
	v41 =	vmul.f32 $1.821428490e+01, v41  }
0x1d7: {  	v51 =	vld [tilespmem:s25+$0x140];
	v52 =	vmin.f32 v52, $7.000000000e+00;
	v33 =	vmul.f32 $1.821428490e+01, v33;
	v34 =	vmul.f32 $1.821428490e+01, v34  }
0x1d8: {  	v53 =	vld [tilespmem:s25+$0x150];
	v44 =	vmul.f32 $1.821428490e+01, v44;
	v46 =	vmul.f32 $1.821428490e+01, v46;
	v41 =	vadd.f32 $1.280000000e+02, v41  }
0x1d9: {  	v54 =	vld [tilespmem:s25+$0x160];
	v48 =	vmul.f32 $1.821428490e+01, v48;
	v50 =	vmul.f32 $1.821428490e+01, v50;
	v33 =	vadd.f32 $1.280000000e+02, v33  }
0x1da: {  	v55 =	vld [tilespmem:s25+$0x170];
	v52 =	vmul.f32 $1.821428490e+01, v52;
	v34 =	vadd.f32 $1.280000000e+02, v34;
	v41 =	vtrunc.f32 v41  }
0x1db: {  	v21 =	vld.idx.msk [tilespmem:v21+s5+$0x0], $0xffff;
	v44 =	vadd.f32 $1.280000000e+02, v44;
	v33 =	vtrunc.f32 v33;
	v41 =	vcvt.f32.s32 v41  }
0x1dc: {  	v20 =	vld.idx.msk [tilespmem:v20+s5+$0x0], $0xffff;
	v46 =	vadd.f32 $1.280000000e+02, v46;
	v34 =	vtrunc.f32 v34;
	v33 =	vcvt.f32.s32 v33  }
0x1dd: {  	v18 =	vld.idx.msk [tilespmem:v18+s5+$0x0], $0xffff;
	v48 =	vadd.f32 $1.280000000e+02, v48;
	v44 =	vtrunc.f32 v44;
	v34 =	vcvt.f32.s32 v34  }
0x1de: {  	v19 =	vld.idx.msk [tilespmem:v19+s5+$0x0], $0xffff;
	v50 =	vadd.f32 $1.280000000e+02, v50;
	v46 =	vtrunc.f32 v46;
	v44 =	vcvt.f32.s32 v44  }
0x1df: {  	v17 =	vld.idx.msk [tilespmem:v17+s5+$0x0], $0xffff;
	v52 =	vadd.f32 $1.280000000e+02, v52;
	v48 =	vtrunc.f32 v48;
	v46 =	vcvt.f32.s32 v46  }
0x1e0: {  	v6 =	vadd.f32 v10, v6;
	v16 =	vld.idx.msk [tilespmem:v16+s5+$0x0], $0xffff;
	v10 =	vtrunc.f32 v50;
	v48 =	vcvt.f32.s32 v48  }
0x1e1: {  	v0 =	vadd.f32 v9, v0;
	v9 =	vtrunc.f32 v52;
	v10 =	vcvt.f32.s32 v10;
	v41 =	vld.idx.msk [tilespmem:v41+s5+$0x0], $0xffff  }
0x1e2: {  	v5 =	vadd.f32 v13, v5;
	v9 =	vcvt.f32.s32 v9;
	v13 =	vld.idx.msk [tilespmem:v33+s5+$0x0], $0xffff  }
0x1e3: {  	v8 =	vmul.f32 v8, v27;
	v3 =	vadd.f32 v12, v3;
	v12 =	vld.idx.msk [tilespmem:v34+s5+$0x0], $0xffff  }
0x1e4: {  	v7 =	vmul.f32 v7, v26;
	v27 =	vmul.f32 v31, v31;
	v4 =	vadd.f32 v14, v4;
	v26 =	vld.idx.msk [tilespmem:v44+s5+$0x0], $0xffff  }
0x1e5: {  	v2 =	vadd.f32 v11, v2;
	v14 =	vmul.f32 v29, v29;
	v1 =	vadd.f32 v8, v1;
	v29 =	vld.idx.msk [tilespmem:v46+s5+$0x0], $0xffff  }
0x1e6: {  	v8 =	vmul.f32 v30, v30;
	v11 =	vsub.f32 v55, v36;
	v31 =	vsub.f32 v45, v38;
	v45 =	vld.idx.msk [tilespmem:v48+s5+$0x0], $0xffff  }
0x1e7: {  	v22 =	vmul.f32 v22, v28;
	v30 =	vsub.f32 v43, v37;
	v28 =	vsub.f32 v47, v39;
	v47 =	vld.idx.msk [tilespmem:v10+s5+$0x0], $0xffff  }
0x1e8: {  	v0 =	vadd.f32 v7, v0;
	v7 =	vmul.f32 v24, v18;
	v8 =	vmul.f32 v8, v17;
	v48 =	vld.idx.msk [tilespmem:v9+s5+$0x0], $0xffff;
	_ =	swait.ge [sflag:s21], $0x4000  }
0x1e9: {  	v11 =	vmul.f32 v11, v11;
	v30 =	vmul.f32 v30, v30;
	v10 =	vsub.f32 v51, v60;
	[sflag:s21] =	ssyncset.done $0x0  }
0x1ea: {  	v35 =	vsub.f32 v54, v62;
	v31 =	vmul.f32 v31, v31;
	v28 =	vmul.f32 v28, v28;
	[sflag:s21] =	ssyncadd.s32 $0xFFFFC000  }
0x1eb: {  	v46 =	vsub.f32 v49, v40;
	v49 =	vmul.f32 v10, v10;
	v10 =	vmul.f32 v25, v20;
	_ =	swait.ge [sflag:s22], $0x4000  }
0x1ec: {  	v3 =	vadd.f32 v7, v3;
	v9 =	vsub.f32 v53, v42;
	[sflag:s22] =	ssyncset.done $0x0;
	v11 =	vmul.f32 v11, v41  }
0x1ed: {  	s28 =	simm.s32 $0x0;
	v7 =	vmul.f32 v27, v16;
	v4 =	vadd.f32 v10, v4;
	[sflag:s22] =	ssyncadd.s32 $0xFFFFC000;
	v10 =	vmul.f32 v30, v13  }
0x1ee: {  	v13 =	vld [tilespmem:s28+$0xC170];
	v15 =	vadd.f32 v11, v15;
	v11 =	vmul.f32 v9, v9;
	v9 =	vmul.f32 v23, v21  }
0x1ef: {  	v6 =	vadd.f32 v22, v6;
	v34 =	vmul.f32 v46, v46;
	v17 =	vld [tilespmem:s28+$0xC110];
	v21 =	vmul.f32 v35, v35  }
0x1f0: {  	v25 =	vld [tilespmem:s28+$0x4110];
	v5 =	vadd.f32 v9, v5;
	v9 =	vmul.f32 v14, v19;
	v14 =	vadd.f32 v8, v1  }
0x1f1: {  	v16 =	vld [tilespmem:s28+$0xC100];
	v8 =	vmul.f32 v31, v12;
	v12 =	vmul.f32 v34, v29;
	v1 =	vadd.f32 v7, v0  }
0x1f2: {  	v24 =	vld [tilespmem:s28+$0x4100];
	v0 =	vmul.f32 v49, v45;
	v7 =	vmul.f32 v11, v47;
	v2 =	vadd.f32 v9, v2  }
0x1f3: {  	v27 =	vld [tilespmem:s28+$0x4120];
	v9 =	vadd.f32 v10, v6;
	v6 =	vmul.f32 v28, v26;
	v10 =	vadd.f32 v8, v5  }
0x1f4: {  	v19 =	vld [tilespmem:s28+$0xC160];
	v12 =	vadd.f32 v12, v3;
	v3 =	vmul.f32 v21, v48;
	v18 =	vmax.f32 v17, $-7.000000000e+00  }
0x1f5: {  	v5 =	vld [tilespmem:s28+$0xC120];
	v17 =	vsub.f32 v25, v17;
	v18 =	vmin.f32 v18, $7.000000000e+00;
	v11 =	vadd.f32 v6, v4  }
0x1f6: {  	v28 =	vld [tilespmem:s28+$0x4170];
	v8 =	vadd.f32 v0, v2;
	v6 =	vmax.f32 v13, $-7.000000000e+00;
	v0 =	vadd.f32 v7, v14  }
0x1f7: {  	v4 =	vld [tilespmem:s28+$0xC130];
	v7 =	vmax.f32 v16, $-7.000000000e+00;
	v18 =	vmul.f32 $1.821428490e+01, v18;
	v16 =	vsub.f32 v24, v16  }
0x1f8: {  	v2 =	vld [tilespmem:s28+$0xC140];
	v17 =	vmul.f32 v17, v17;
	v1 =	vadd.f32 v3, v1;
	v6 =	vmin.f32 v6, $7.000000000e+00  }
0x1f9: {  	v14 =	vld [tilespmem:s28+$0xC150];
	v7 =	vmin.f32 v7, $7.000000000e+00;
	v26 =	vmax.f32 v19, $-7.000000000e+00;
	v6 =	vmul.f32 $1.821428490e+01, v6  }
0x1fa: {  	v29 =	vld [tilespmem:s28+$0x4130];
	v7 =	vmul.f32 $1.821428490e+01, v7;
	v26 =	vmin.f32 v26, $7.000000000e+00;
	v18 =	vadd.f32 $1.280000000e+02, v18  }
0x1fb: {  	v31 =	vld [tilespmem:s28+$0x4150];
	v16 =	vmul.f32 v16, v16;
	v20 =	vmax.f32 v5, $-7.000000000e+00;
	v26 =	vmul.f32 $1.821428490e+01, v26  }
0x1fc: {  	v13 =	vsub.f32 v28, v13;
	v5 =	vsub.f32 v27, v5;
	v20 =	vmin.f32 v20, $7.000000000e+00  }
0x1fd: {  	v6 =	vadd.f32 $1.280000000e+02, v6;
	v7 =	vadd.f32 $1.280000000e+02, v7;
	v18 =	vtrunc.f32 v18  }
0x1fe: {  	v21 =	vmax.f32 v4, $-7.000000000e+00;
	v22 =	vmax.f32 v2, $-7.000000000e+00;
	v23 =	vmax.f32 v14, $-7.000000000e+00  }
0x1ff: {  	v24 =	vld [tilespmem:s28+$0x4160];
	v20 =	vmul.f32 $1.821428490e+01, v20;
	v26 =	vadd.f32 $1.280000000e+02, v26;
	v18 =	vcvt.f32.s32 v18  }
0x200: {  	s29 =	simm.s32 $0x80;
	v30 =	vld [tilespmem:s28+$0x4140];
	v4 =	vsub.f32 v29, v4;
	v13 =	vmul.f32 v13, v13;
	v14 =	vsub.f32 v31, v14  }
0x201: {  	v53 =	vld [tilespmem:s29+$0x4100];
	v28 =	vmul.f32 v5, v5;
	v21 =	vmin.f32 v21, $7.000000000e+00;
	v6 =	vtrunc.f32 v6  }
0x202: {  	v27 =	vld [tilespmem:s29+$0xC100];
	v22 =	vmin.f32 v22, $7.000000000e+00;
	v7 =	vtrunc.f32 v7;
	v6 =	vcvt.f32.s32 v6  }
0x203: {  	v23 =	vmin.f32 v23, $7.000000000e+00;
	v21 =	vmul.f32 $1.821428490e+01, v21;
	v22 =	vmul.f32 $1.821428490e+01, v22  }
0x204: {  	v56 =	vld [tilespmem:s29+$0x4110];
	v19 =	vsub.f32 v24, v19;
	v23 =	vmul.f32 $1.821428490e+01, v23;
	v7 =	vcvt.f32.s32 v7  }
0x205: {  	v2 =	vsub.f32 v30, v2;
	v24 =	vld [tilespmem:s29+$0xC120];
	v25 =	vtrunc.f32 v26;
	v29 =	vmul.f32 v4, v4  }
0x206: {  	v31 =	vld [tilespmem:s29+$0xC150];
	v20 =	vadd.f32 $1.280000000e+02, v20;
	v14 =	vmul.f32 v14, v14;
	v19 =	vmul.f32 v19, v19  }
0x207: {  	v57 =	vld [tilespmem:s29+$0x4120];
	v25 =	vcvt.f32.s32 v25;
	v30 =	vmax.f32 v27, $-7.000000000e+00;
	v27 =	vsub.f32 v53, v27  }
0x208: {  	v26 =	vld [tilespmem:s29+$0xC170];
	v21 =	vadd.f32 $1.280000000e+02, v21;
	v22 =	vadd.f32 $1.280000000e+02, v22;
	v20 =	vtrunc.f32 v20  }
0x209: {  	v4 =	vld [tilespmem:s29+$0xC130];
	v23 =	vadd.f32 $1.280000000e+02, v23;
	v30 =	vmin.f32 v30, $7.000000000e+00;
	v20 =	vcvt.f32.s32 v20  }
0x20a: {  	v59 =	vld [tilespmem:s29+$0x4130];
	v30 =	vmul.f32 $1.821428490e+01, v30;
	v51 =	vmax.f32 v24, $-7.000000000e+00;
	v27 =	vmul.f32 v27, v27  }
0x20b: {  	v60 =	vld [tilespmem:s29+$0x4170];
	v55 =	vmax.f32 v31, $-7.000000000e+00;
	v21 =	vtrunc.f32 v21;
	v22 =	vtrunc.f32 v22  }
0x20c: {  	v23 =	vtrunc.f32 v23;
	v33 =	vmin.f32 v51, $7.000000000e+00;
	v21 =	vcvt.f32.s32 v21;
	v6 =	vld.idx.msk [tilespmem:v6+s5+$0x0], $0xffff  }
0x20d: {  	v37 =	vmin.f32 v55, $7.000000000e+00;
	v22 =	vcvt.f32.s32 v22;
	v23 =	vcvt.f32.s32 v23;
	v7 =	vld.idx.msk [tilespmem:v7+s5+$0x0], $0xffff  }
0x20e: {  	v62 =	vld [tilespmem:s29+$0x4150];
	v5 =	vmax.f32 v26, $-7.000000000e+00;
	v52 =	vmax.f32 v4, $-7.000000000e+00;
	v33 =	vmul.f32 $1.821428490e+01, v33  }
0x20f: {  	v18 =	vld.idx.msk [tilespmem:v18+s5+$0x0], $0xffff;
	v30 =	vadd.f32 $1.280000000e+02, v30;
	v37 =	vmul.f32 $1.821428490e+01, v37;
	v5 =	vmin.f32 v5, $7.000000000e+00  }
0x210: {  	v26 =	vsub.f32 v60, v26;
	v34 =	vmin.f32 v52, $7.000000000e+00;
	v5 =	vmul.f32 $1.821428490e+01, v5;
	v20 =	vld.idx.msk [tilespmem:v20+s5+$0x0], $0xffff  }
0x211: {  	v34 =	vmul.f32 $1.821428490e+01, v34;
	v33 =	vadd.f32 $1.280000000e+02, v33;
	v6 =	vmul.f32 v13, v6;
	v13 =	vld [tilespmem:s29+$0xC110]  }
0x212: {  	v30 =	vtrunc.f32 v30;
	v37 =	vadd.f32 $1.280000000e+02, v37;
	v16 =	vmul.f32 v16, v7;
	v7 =	vld [tilespmem:s29+$0xC160]  }
0x213: {  	v26 =	vmul.f32 v26, v26;
	v30 =	vcvt.f32.s32 v30;
	v5 =	vadd.f32 $1.280000000e+02, v5;
	v21 =	vld.idx.msk [tilespmem:v21+s5+$0x0], $0xffff  }
0x214: {  	v34 =	vadd.f32 $1.280000000e+02, v34;
	v33 =	vtrunc.f32 v33;
	v48 =	vtrunc.f32 v37;
	v22 =	vld.idx.msk [tilespmem:v22+s5+$0x0], $0xffff  }
0x215: {  	v24 =	vsub.f32 v57, v24;
	v17 =	vmul.f32 v17, v18;
	v33 =	vcvt.f32.s32 v33;
	v23 =	vld.idx.msk [tilespmem:v23+s5+$0x0], $0xffff  }
0x216: {  	v61 =	vld [tilespmem:s29+$0x4140];
	v31 =	vsub.f32 v62, v31;
	v5 =	vtrunc.f32 v5;
	v34 =	vtrunc.f32 v34  }
0x217: {  	v5 =	vcvt.f32.s32 v5;
	v6 =	vadd.f32 v6, v15;
	v15 =	vmul.f32 v2, v2;
	v2 =	vld [tilespmem:s29+$0xC140]  }
0x218: {  	s31 =	simm.s32 $0x100;
	v63 =	vld [tilespmem:s29+$0x4160];
	v34 =	vcvt.f32.s32 v34;
	v18 =	vmul.f32 v28, v20;
	v50 =	vmax.f32 v13, $-7.000000000e+00  }
0x219: {  	v53 =	vld [tilespmem:s31+$0xC160];
	v58 =	vmax.f32 v7, $-7.000000000e+00;
	v13 =	vsub.f32 v56, v13;
	v20 =	vmul.f32 v29, v21  }
0x21a: {  	v30 =	vld.idx.msk [tilespmem:v30+s5+$0x0], $0xffff;
	v15 =	vmul.f32 v15, v22;
	v14 =	vmul.f32 v14, v23;
	v32 =	vmin.f32 v50, $7.000000000e+00  }
0x21b: {  	v40 =	vmin.f32 v58, $7.000000000e+00;
	v50 =	vsub.f32 v59, v4;
	v4 =	vmul.f32 v24, v24  }
0x21c: {  	v23 =	vld [tilespmem:s31+$0xC150];
	v32 =	vmul.f32 $1.821428490e+01, v32;
	v54 =	vmax.f32 v2, $-7.000000000e+00;
	v40 =	vmul.f32 $1.821428490e+01, v40  }
0x21d: {  	v5 =	vld.idx.msk [tilespmem:v5+s5+$0x0], $0xffff;
	v51 =	vsub.f32 v61, v2;
	v2 =	vmul.f32 v13, v13;
	v13 =	vsub.f32 v63, v7  }
0x21e: {  	v7 =	vmul.f32 v31, v31;
	v31 =	vmax.f32 v53, $-7.000000000e+00;
	v36 =	vmin.f32 v54, $7.000000000e+00  }
0x21f: {  	v57 =	vld [tilespmem:s31+$0x4140];
	v21 =	vmul.f32 v27, v30;
	v31 =	vmin.f32 v31, $7.000000000e+00;
	v32 =	vadd.f32 $1.280000000e+02, v32  }
0x220: {  	v25 =	vld.idx.msk [tilespmem:v25+s5+$0x0], $0xffff;
	v36 =	vmul.f32 $1.821428490e+01, v36;
	v40 =	vadd.f32 $1.280000000e+02, v40;
	v3 =	vmul.f32 v51, v51  }
0x221: {  	v28 =	vld [tilespmem:s31+$0xC120];
	v31 =	vmul.f32 $1.821428490e+01, v31;
	v29 =	vmax.f32 v23, $-7.000000000e+00;
	v32 =	vtrunc.f32 v32  }
0x222: {  	v22 =	vld [tilespmem:s31+$0xC140];
	v36 =	vadd.f32 $1.280000000e+02, v36;
	v49 =	vtrunc.f32 v40;
	v26 =	vmul.f32 v26, v5  }
0x223: {  	v24 =	vld [tilespmem:s31+$0xC170];
	v29 =	vmin.f32 v29, $7.000000000e+00;
	v32 =	vcvt.f32.s32 v32;
	v37 =	vcvt.f32.s32 v49  }
0x224: {  	v5 =	vmul.f32 v50, v50;
	v29 =	vmul.f32 $1.821428490e+01, v29;
	v52 =	vadd.f32 v26, v6;
	v26 =	vld [tilespmem:s31+$0xC100]  }
0x225: {  	v56 =	vld [tilespmem:s31+$0x4170];
	v31 =	vadd.f32 $1.280000000e+02, v31;
	v47 =	vtrunc.f32 v36;
	v36 =	vcvt.f32.s32 v48  }
0x226: {  	v27 =	vld [tilespmem:s31+$0x4100];
	v6 =	vmul.f32 v13, v13;
	v13 =	vadd.f32 v16, v9;
	v9 =	vadd.f32 v17, v10  }
0x227: {  	v54 =	vld [tilespmem:s31+$0x4120];
	v31 =	vtrunc.f32 v31;
	v10 =	vadd.f32 v18, v11;
	v11 =	vadd.f32 v20, v12  }
0x228: {  	v16 =	vld [tilespmem:s31+$0xC110];
	v18 =	vmul.f32 v19, v25;
	v19 =	vmax.f32 v24, $-7.000000000e+00;
	v12 =	vadd.f32 v15, v8  }
0x229: {  	v17 =	vld [tilespmem:s31+$0xC130];
	v8 =	vadd.f32 v14, v0;
	v19 =	vmin.f32 v19, $7.000000000e+00;
	v15 =	vmax.f32 v26, $-7.000000000e+00  }
0x22a: {  	v30 =	vld [tilespmem:s31+$0x4110];
	v25 =	vmax.f32 v22, $-7.000000000e+00;
	v0 =	vmin.f32 v15, $7.000000000e+00;
	v15 =	vmul.f32 $1.821428490e+01, v19  }
0x22b: {  	v55 =	vld [tilespmem:s31+$0x4130];
	v29 =	vadd.f32 $1.280000000e+02, v29;
	v24 =	vsub.f32 v56, v24;
	v25 =	vmin.f32 v25, $7.000000000e+00  }
0x22c: {  	v35 =	vcvt.f32.s32 v47;
	v25 =	vmul.f32 $1.821428490e+01, v25;
	v15 =	vadd.f32 $1.280000000e+02, v15  }
0x22d: {  	v58 =	vld [tilespmem:s31+$0x4150];
	v40 =	vsub.f32 v54, v28;
	v29 =	vtrunc.f32 v29;
	v24 =	vmul.f32 v24, v24  }
0x22e: {  	v14 =	vmax.f32 v16, $-7.000000000e+00;
	v20 =	vmax.f32 v17, $-7.000000000e+00;
	v15 =	vtrunc.f32 v15  }
0x22f: {  	v60 =	vsub.f32 v27, v26;
	v62 =	vsub.f32 v30, v16;
	v15 =	vcvt.f32.s32 v15  }
0x230: {  	v26 =	vld.idx.msk [tilespmem:v33+s5+$0x0], $0xffff;
	v41 =	vsub.f32 v55, v17;
	v33 =	vsub.f32 v57, v22;
	v14 =	vmin.f32 v14, $7.000000000e+00  }
0x231: {  	v19 =	vmax.f32 v28, $-7.000000000e+00;
	v20 =	vmin.f32 v20, $7.000000000e+00;
	v0 =	vmul.f32 $1.821428490e+01, v0  }
0x232: {  	v28 =	vld.idx.msk [tilespmem:v34+s5+$0x0], $0xffff;
	v34 =	vsub.f32 v58, v23;
	v19 =	vmin.f32 v19, $7.000000000e+00;
	v14 =	vmul.f32 $1.821428490e+01, v14  }
0x233: {  	v20 =	vmul.f32 $1.821428490e+01, v20;
	v19 =	vmul.f32 $1.821428490e+01, v19;
	v0 =	vadd.f32 $1.280000000e+02, v0  }
0x234: {  	v22 =	vmul.f32 v62, v62;
	v23 =	vmul.f32 v41, v41;
	v14 =	vadd.f32 $1.280000000e+02, v14  }
0x235: {  	v20 =	vadd.f32 $1.280000000e+02, v20;
	v19 =	vadd.f32 $1.280000000e+02, v19;
	v0 =	vtrunc.f32 v0;
	v61 =	vld.idx.msk [tilespmem:v15+s5+$0x0], $0xffff  }
0x236: {  	v59 =	vld [tilespmem:s31+$0x4160];
	v14 =	vtrunc.f32 v14;
	v0 =	vcvt.f32.s32 v0  }
0x237: {  	v25 =	vadd.f32 $1.280000000e+02, v25;
	v27 =	vtrunc.f32 v20;
	v19 =	vtrunc.f32 v19  }
0x238: {  	v30 =	vld.idx.msk [tilespmem:v36+s5+$0x0], $0xffff;
	v20 =	vcvt.f32.s32 v14;
	v16 =	vcvt.f32.s32 v27  }
0x239: {  	v14 =	vcvt.f32.s32 v31;
	v15 =	vtrunc.f32 v25;
	v25 =	vld.idx.msk [tilespmem:v32+s5+$0x0], $0xffff  }
0x23a: {  	v27 =	vld.idx.msk [tilespmem:v35+s5+$0x0], $0xffff;
	v31 =	vmul.f32 v60, v60;
	v63 =	vmul.f32 v24, v61  }
0x23b: {  	v35 =	vsub.f32 v59, v53;
	v17 =	vcvt.f32.s32 v15;
	v15 =	vcvt.f32.s32 v29;
	v29 =	vld.idx.msk [tilespmem:v37+s5+$0x0], $0xffff  }
0x23c: {  	s25 =	simm.s32 $0x180;
	s26 =	simm.s32 $0x800;
	v19 =	vcvt.f32.s32 v19;
	v32 =	vld.idx.msk [tilespmem:v0+s5+$0x0], $0xffff;
	v24 =	vmul.f32 v40, v40;
	v0 =	vadd.f32 v63, v52  }
.LBB2_10:
0x23d: {  	p0 =	sne.s32 s26, $0xFE00;
	v36 =	vld [tilespmem:s25+$0xC170];
	v33 =	vmul.f32 v33, v33;
	v34 =	vmul.f32 v34, v34;
	v13 =	vadd.f32 v21, v13  }
0x23e: {  	v35 =	vmul.f32 v35, v35;
	v21 =	vmul.f32 v2, v25;
	v1 =	vadd.f32 v18, v1;
	v2 =	vmovc v22;
	v37 =	vld [tilespmem:s25+$0xC100]  }
0x23f: {  	v18 =	vmul.f32 v4, v26;
	v25 =	vmul.f32 v5, v28;
	v4 =	vmovc v24;
	v5 =	vmov v23;
	v22 =	vld [tilespmem:s25+$0xC110]  }
0x240: {  	v26 =	vmul.f32 v7, v30;
	v24 =	vmul.f32 v3, v27;
	v9 =	vadd.f32 v21, v9;
	v3 =	vmovc v33;
	v23 =	vld [tilespmem:s25+$0xC120]  }
0x241: {  	v10 =	vadd.f32 v18, v10;
	v11 =	vadd.f32 v25, v11;
	v18 =	vmul.f32 v6, v29;
	v7 =	vmovc v34;
	v33 =	vld [tilespmem:s25+$0xC130]  }
0x242: {  	v6 =	vmovc v35;
	v12 =	vadd.f32 v24, v12;
	v21 =	vmul.f32 v31, v32;
	v34 =	vld [tilespmem:s25+$0xC140];
	v25 =	vmax.f32 v36, $-7.000000000e+00  }
0x243: {  	v8 =	vadd.f32 v26, v8;
	v24 =	vmax.f32 v37, $-7.000000000e+00;
	v31 =	vld [tilespmem:s25+$0xC150];
	v25 =	vmin.f32 v25, $7.000000000e+00  }
0x244: {  	v24 =	vmin.f32 v24, $7.000000000e+00;
	v26 =	vmax.f32 v22, $-7.000000000e+00;
	v32 =	vld [tilespmem:s25+$0xC160];
	v25 =	vmul.f32 $1.821428490e+01, v25  }
0x245: {  	v27 =	vld [tilespmem:s25+$0x4100];
	v24 =	vmul.f32 $1.821428490e+01, v24;
	v26 =	vmin.f32 v26, $7.000000000e+00;
	v28 =	vmax.f32 v23, $-7.000000000e+00  }
0x246: {  	v29 =	vld [tilespmem:s25+$0x4110];
	v28 =	vmin.f32 v28, $7.000000000e+00;
	v30 =	vmax.f32 v33, $-7.000000000e+00;
	v25 =	vadd.f32 $1.280000000e+02, v25  }
0x247: {  	v26 =	vmul.f32 $1.821428490e+01, v26;
	v35 =	vld [tilespmem:s25+$0x4120];
	v30 =	vmin.f32 v30, $7.000000000e+00;
	v38 =	vmax.f32 v34, $-7.000000000e+00  }
0x248: {  	v39 =	vld [tilespmem:s25+$0x4130];
	v38 =	vmin.f32 v38, $7.000000000e+00;
	v40 =	vmax.f32 v31, $-7.000000000e+00;
	v25 =	vtrunc.f32 v25  }
0x249: {  	v41 =	vld [tilespmem:s25+$0x4140];
	v40 =	vmin.f32 v40, $7.000000000e+00;
	v42 =	vmax.f32 v32, $-7.000000000e+00;
	v43 =	vcvt.f32.s32 v25  }
0x24a: {  	v25 =	vmul.f32 $1.821428490e+01, v28;
	v28 =	vmul.f32 $1.821428490e+01, v30;
	v44 =	vld [tilespmem:s25+$0x4150];
	v30 =	vmin.f32 v42, $7.000000000e+00  }
0x24b: {  	v24 =	vadd.f32 $1.280000000e+02, v24;
	v38 =	vmul.f32 $1.821428490e+01, v38;
	v40 =	vmul.f32 $1.821428490e+01, v40;
	v42 =	vld [tilespmem:s25+$0x4160]  }
0x24c: {  	v26 =	vadd.f32 $1.280000000e+02, v26;
	v45 =	vadd.f32 $1.280000000e+02, v25;
	v30 =	vmul.f32 $1.821428490e+01, v30;
	v46 =	vld [tilespmem:s25+$0x4170]  }
0x24d: {  	v24 =	vtrunc.f32 v24;
	v28 =	vadd.f32 $1.280000000e+02, v28;
	v38 =	vadd.f32 $1.280000000e+02, v38;
	v25 =	vld.idx.msk [tilespmem:v20+s5+$0x0], $0xffff  }
0x24e: {  	v40 =	vadd.f32 $1.280000000e+02, v40;
	v20 =	vtrunc.f32 v26;
	v30 =	vadd.f32 $1.280000000e+02, v30;
	v26 =	vld.idx.msk [tilespmem:v19+s5+$0x0], $0xffff  }
0x24f: {  	v37 =	vsub.f32 v27, v37;
	v19 =	vtrunc.f32 v45;
	v45 =	vtrunc.f32 v28;
	v43 =	vld.idx.msk [tilespmem:v43+s5+$0x0], $0xffff  }
0x250: {  	v22 =	vsub.f32 v29, v22;
	v38 =	vtrunc.f32 v38;
	v40 =	vtrunc.f32 v40;
	v28 =	vld.idx.msk [tilespmem:v16+s5+$0x0], $0xffff  }
0x251: {  	v24 =	vcvt.f32.s32 v24;
	v47 =	vtrunc.f32 v30;
	v29 =	vsub.f32 v46, v36;
	v27 =	vld.idx.msk [tilespmem:v17+s5+$0x0], $0xffff  }
0x252: {  	v23 =	vsub.f32 v35, v23;
	v20 =	vcvt.f32.s32 v20;
	v19 =	vcvt.f32.s32 v19;
	v30 =	vld.idx.msk [tilespmem:v15+s5+$0x0], $0xffff  }
.Ltmp4:
0x253: {  	v16 =	vcvt.f32.s32 v45;
	v36 =	vsub.f32 v39, v33;
	v35 =	vmul.f32 v29, v29;
	v29 =	vld.idx.msk [tilespmem:v14+s5+$0x0], $0xffff;
	(pc) =	sbr.rel @p0 .LBB2_10-.Ltmp4, $4  }
0x254: {  	v17 =	vcvt.f32.s32 v38;
	v33 =	vsub.f32 v41, v34;
	v15 =	vcvt.f32.s32 v40  }
0x255: {  	v34 =	vsub.f32 v44, v31;
	v14 =	vcvt.f32.s32 v47;
	v38 =	vmul.f32 v35, v43  }
0x256: {  	v22 =	vmul.f32 v22, v22;
	v31 =	vmul.f32 v37, v37;
	v35 =	vsub.f32 v42, v32  }
0x257: {  	s25 =	sshra.s32 s26, $0x2;
	s26 =	sadd.s32 $0x200, s26;
	v32 =	vld.idx.msk [tilespmem:v24+s5+$0x0], $0xffff;
	v24 =	vmul.f32 v23, v23;
	v23 =	vmul.f32 v36, v36;
	v0 =	vadd.f32 v38, v0  }
0x258: {  	v36 =	vld [tilespmem:s25+$0xC170]  }
0x259: {  	v37 =	vld [tilespmem:s25+$0xC100]  }
0x25a: {  	v54 =	vld [tilespmem:s25+$0xC110]  }
0x25b: {  	v55 =	vld [tilespmem:s25+$0xC120]  }
0x25c: {  	v56 =	vld [tilespmem:s25+$0xC130]  }
0x25d: {  	v57 =	vld [tilespmem:s25+$0xC140]  }
0x25e: {  	v61 =	vld [tilespmem:s25+$0xC150]  }
0x25f: {  	v63 =	vld [tilespmem:s25+$0xC160]  }
0x260: {  	v33 =	vmul.f32 v33, v33;
	v49 =	vld [tilespmem:s25+$0x4100]  }
0x261: {  	v34 =	vmul.f32 v34, v34;
	v2 =	vmul.f32 v2, v25;
	v13 =	vadd.f32 v21, v13;
	v50 =	vld [tilespmem:s25+$0x4110]  }
0x262: {  	v4 =	vmul.f32 v4, v26;
	v5 =	vmul.f32 v5, v28;
	v1 =	vadd.f32 v18, v1;
	v39 =	vld [tilespmem:s25+$0x4120]  }
0x263: {  	v3 =	vmul.f32 v3, v27;
	v7 =	vmul.f32 v7, v30;
	v20 =	vld.idx.msk [tilespmem:v20+s5+$0x0], $0xffff;
	v2 =	vadd.f32 v2, v9  }
0x264: {  	v35 =	vmul.f32 v35, v35;
	v19 =	vld.idx.msk [tilespmem:v19+s5+$0x0], $0xffff;
	v4 =	vadd.f32 v4, v10;
	v5 =	vadd.f32 v5, v11  }
0x265: {  	v6 =	vmul.f32 v6, v29;
	v16 =	vld.idx.msk [tilespmem:v16+s5+$0x0], $0xffff;
	v3 =	vadd.f32 v3, v12;
	v7 =	vadd.f32 v7, v8  }
0x266: {  	v17 =	vld.idx.msk [tilespmem:v17+s5+$0x0], $0xffff;
	v59 =	vmul.f32 v31, v32;
	v58 =	vmax.f32 v36, $-7.000000000e+00;
	v60 =	vmax.f32 v37, $-7.000000000e+00  }
0x267: {  	v62 =	vmax.f32 v54, $-7.000000000e+00;
	v47 =	vmax.f32 v55, $-7.000000000e+00;
	v48 =	vmax.f32 v56, $-7.000000000e+00  }
0x268: {  	v51 =	vmax.f32 v57, $-7.000000000e+00;
	v38 =	vmax.f32 v61, $-7.000000000e+00;
	v41 =	vmax.f32 v63, $-7.000000000e+00  }
0x269: {  	v30 =	vsub.f32 v49, v37;
	v21 =	vsub.f32 v50, v54;
	v20 =	vmul.f32 v22, v20  }
0x26a: {  	v18 =	vsub.f32 v39, v55;
	v55 =	vmul.f32 v24, v19;
	v16 =	vmul.f32 v23, v16  }
0x26b: {  	v17 =	vmul.f32 v33, v17;
	v11 =	vmin.f32 v58, $7.000000000e+00;
	v12 =	vmin.f32 v60, $7.000000000e+00  }
0x26c: {  	v27 =	vmin.f32 v62, $7.000000000e+00;
	v28 =	vmin.f32 v47, $7.000000000e+00;
	v29 =	vmin.f32 v48, $7.000000000e+00  }
0x26d: {  	v32 =	vmin.f32 v51, $7.000000000e+00;
	v38 =	vmin.f32 v38, $7.000000000e+00;
	v12 =	vmul.f32 $1.821428490e+01, v12  }
0x26e: {  	v41 =	vmin.f32 v41, $7.000000000e+00;
	v11 =	vmul.f32 $1.821428490e+01, v11;
	v27 =	vmul.f32 $1.821428490e+01, v27  }
0x26f: {  	v28 =	vmul.f32 $1.821428490e+01, v28;
	v29 =	vmul.f32 $1.821428490e+01, v29;
	v12 =	vadd.f32 $1.280000000e+02, v12  }
0x270: {  	v32 =	vmul.f32 $1.821428490e+01, v32;
	v38 =	vmul.f32 $1.821428490e+01, v38;
	v27 =	vadd.f32 $1.280000000e+02, v27  }
0x271: {  	v40 =	vld [tilespmem:s25+$0x4130];
	v41 =	vmul.f32 $1.821428490e+01, v41;
	v28 =	vadd.f32 $1.280000000e+02, v28;
	v12 =	vtrunc.f32 v12  }
0x272: {  	v45 =	vld [tilespmem:s25+$0x4170];
	v32 =	vadd.f32 $1.280000000e+02, v32;
	v27 =	vtrunc.f32 v27;
	v12 =	vcvt.f32.s32 v12  }
0x273: {  	v42 =	vld [tilespmem:s25+$0x4140];
	v38 =	vadd.f32 $1.280000000e+02, v38;
	v28 =	vtrunc.f32 v28;
	v27 =	vcvt.f32.s32 v27  }
0x274: {  	v15 =	vld.idx.msk [tilespmem:v15+s5+$0x0], $0xffff;
	v41 =	vadd.f32 $1.280000000e+02, v41;
	v32 =	vtrunc.f32 v32;
	v28 =	vcvt.f32.s32 v28  }
0x275: {  	v14 =	vld.idx.msk [tilespmem:v14+s5+$0x0], $0xffff;
	v11 =	vadd.f32 $1.280000000e+02, v11;
	v52 =	vtrunc.f32 v38;
	v32 =	vcvt.f32.s32 v32  }
0x276: {  	v43 =	vld [tilespmem:s25+$0x4150];
	v29 =	vadd.f32 $1.280000000e+02, v29;
	v53 =	vtrunc.f32 v41;
	v37 =	vcvt.f32.s32 v52  }
0x277: {  	v44 =	vld [tilespmem:s25+$0x4160];
	v36 =	vsub.f32 v45, v36;
	v11 =	vtrunc.f32 v11;
	v31 =	vcvt.f32.s32 v53  }
0x278: {  	v9 =	vsub.f32 v40, v56;
	v29 =	vtrunc.f32 v29;
	v11 =	vcvt.f32.s32 v11;
	v12 =	vld.idx.msk [tilespmem:v12+s5+$0x0], $0xffff  }
0x279: {  	v10 =	vsub.f32 v42, v57;
	v15 =	vmul.f32 v34, v15;
	v29 =	vcvt.f32.s32 v29;
	v27 =	vld.idx.msk [tilespmem:v27+s5+$0x0], $0xffff  }
0x27a: {  	v13 =	vadd.f32 v59, v13;
	v59 =	vmul.f32 v35, v14;
	v36 =	vmul.f32 v36, v36;
	v28 =	vld.idx.msk [tilespmem:v28+s5+$0x0], $0xffff  }
0x27b: {  	v26 =	vsub.f32 v43, v61;
	v30 =	vmul.f32 v30, v30;
	v21 =	vmul.f32 v21, v21;
	v54 =	vld.idx.msk [tilespmem:v32+s5+$0x0], $0xffff  }
0x27c: {  	v8 =	vsub.f32 v44, v63;
	v18 =	vmul.f32 v18, v18;
	v9 =	vmul.f32 v9, v9;
	v56 =	vld.idx.msk [tilespmem:v37+s5+$0x0], $0xffff  }
0x27d: {  	v1 =	vadd.f32 v6, v1;
	v10 =	vmul.f32 v10, v10;
	v26 =	vmul.f32 v26, v26;
	v57 =	vld.idx.msk [tilespmem:v31+s5+$0x0], $0xffff  }
0x27e: {  	v8 =	vmul.f32 v8, v8;
	v2 =	vadd.f32 v20, v2;
	v4 =	vadd.f32 v55, v4;
	v11 =	vld.idx.msk [tilespmem:v11+s5+$0x0], $0xffff  }
0x27f: {  	v5 =	vadd.f32 v16, v5;
	v3 =	vadd.f32 v17, v3;
	v60 =	vld.idx.msk [tilespmem:v29+s5+$0x0], $0xffff;
	v58 =	vmul.f32 v30, v12  }
0x280: {  	v7 =	vadd.f32 v15, v7;
	v61 =	vmul.f32 v21, v27;
	v10 =	vmul.f32 v10, v54  }
0x281: {  	v1 =	vadd.f32 v59, v1;
	v62 =	vmul.f32 v26, v56;
	v63 =	vmul.f32 v18, v28  }
0x282: {  	v8 =	vmul.f32 v8, v57;
	v6 =	vadd.f32 v58, v13;
	v2 =	vadd.f32 v61, v2  }
0x283: {  	v11 =	vmul.f32 v36, v11;
	v3 =	vadd.f32 v10, v3;
	v7 =	vadd.f32 v62, v7  }
0x284: {  	v9 =	vmul.f32 v9, v60;
	v4 =	vadd.f32 v63, v4;
	v1 =	vadd.f32 v8, v1  }
0x285: {  	v2 =	vadd.f32 v2, v6;
	v3 =	vadd.f32 v7, v3  }
0x286: {  	v0 =	vadd.f32 v11, v0;
	v5 =	vadd.f32 v9, v5  }
0x287: {  	v2 =	vadd.f32 v4, v2;
	v1 =	vadd.f32 v1, v3;
	_ =	sdelay $0x1  }
0x288: {  	v2 =	vadd.f32 v5, v2;
	v0 =	vadd.f32 v0, v1;
	_ =	sdelay $0x1  }
0x289: {  	s24 =	sadd.s32 $0x1, s24;
	v0 =	vadd.f32 v0, v2  }
0x28a: {  	p0 =	sne.s32 s24, s13  }
.Ltmp5:
0x28b: {  	[tilespmem:$0x10100] =	vst v0;
	(pc) =	sbr.rel @p0 .LBB2_1-.Ltmp5, $4  }
0x28c: {  	[hbm4b:s12+s5] =	stream.linear.scatter [tilespmem:s23], [sflag:$0x5], $0x80, $0x38;
	[tilespmem:$0x10180] =	vst v63  }
0x28d: {  	_ =	swait.ge [sflag:s14], $0x80  }
0x28e: {  	[sflag:s14] =	ssyncset.done $0x0  }
0x28f: {  	[sflag:s14] =	ssyncadd.s32 $0xFFFFFF80  }
0x290: {  	_ =	sfence.sel $0x180000  }
0x291: {  	[bflag:$0x0] =	sbarrier.arrive $0xFFFF  }
0x292: {  	p0 =	sne.s32 s3, $0x0;
	_ =	strace $0x90000047  }
0x293: {  	s0 =	sadd.s32 @!p0 $0x100000, s0;
	[bflag:$0x2] =	sbarrier.arrive $0xFFFF  }
0x294: {  	[sflag:s0] =	ssyncadd.tile.s32 @!p0 $0x1;
	_ =	shalt  }
.Lfunc_end2:
_tile_overlayer_lowered:
.L_overlay_start_2:
0x295: {  	(tag) =	ssettag $0x2  }
0x296: {  	s0 =	rddreg [dreg:$0x0];
	s2 =	stileid.u32  }
0x297: {  	s1 =	rddreg [dreg:$0x1];
	p0 =	sne.s32 s2, $0x0  }
0x298: {  	s3 =	rddreg [dreg:$0x2];
	[bflag:$0x3] =	sbarrier.arrive $0xFFFF;
	s2 =	simm.s32 @!p0 $0x1C05  }
0x299: {  	[timem:s3], [sflag:s2] =	dma.local @!p0 [hbm:s0], s1  }
0x29a: {  	s0 =	simm.s32 @!p0 $0x5  }
0x29b: {  	_ =	swait.ge @!p0 [sflag:s0], s1  }
0x29c: {  	s1 =	ssub.s32 @!p0 $0x0, s1;
	[sflag:s0] =	ssyncset.done @!p0 $0x0  }
0x29d: {  	[sflag:s0] =	ssyncadd.s32 @!p0 s1  }
0x29e: {  	[bflag:$0x3] =	sbarrier.arrive $0xFFFF  }
0x29f: {  	_ =	shalt  }

</sc_bundles>
